<compile_context>
chip_gen: v7x
topology: tpu7x:2x2x1
jax: 0.10.2.dev20260603
libtpu: 0.0.44.dev20260713+nightly
codegen_flags: <defaults>
</compile_context>

<pallas_src>
import functools

import jax
import jax.numpy as jnp
from jax import lax
from jax.experimental import pallas as pl
from jax.experimental.pallas import tpu as pltpu
from jax.experimental.pallas import tpu_sc as plsc

NUM_ACTIONS = 100000
EMBED_DIM = 32
HIDDEN_DIM = 64
LATENT_DIM = 64
BATCH = 16384

NC = 2
NS = 16
CH = 4096
NCH = BATCH // CH

_sc_mesh = plsc.VectorSubcoreMesh(core_axis_name="c", subcore_axis_name="s")


@functools.partial(
    pl.kernel,
    mesh=_sc_mesh,
    out_type=jax.ShapeDtypeStruct((EMBED_DIM, BATCH), jnp.float32),
    scratch_types=[
        pltpu.VMEM((NUM_ACTIONS,), jnp.float32),
        pltpu.VMEM((BATCH,), jnp.int32),
        pltpu.VMEM((2, CH), jnp.float32),
        pltpu.SemaphoreType.DMA,
        pltpu.SemaphoreType.DMA,
    ],
    compiler_params=pltpu.CompilerParams(
        use_tc_tiling_on_sc=True, needs_layout_passes=False),
)
def _sc_gather(table_t, idx_hbm, out_t, slab_v, idx_v, g_v, sem_slab,
               sem_out):
    wid = lax.axis_index("s") * NC + lax.axis_index("c")
    slab_cp = pltpu.async_copy(table_t.at[wid], slab_v, sem_slab)
    pltpu.sync_copy(idx_hbm, idx_v)
    slab_cp.wait()

    out_cps = []
    for ci in range(NCH):
        buf = ci % 2

        if ci >= 2:
            out_cps[ci - 2].wait()

        @plsc.parallel_loop(0, CH, step=16, unroll=16)
        def _(i, ci=ci, buf=buf):
            iv = idx_v[pl.ds(ci * CH + i, 16)]
            g_v[buf, pl.ds(i, 16)] = plsc.load_gather(slab_v, [iv])
        out_cps.append(
            pltpu.async_copy(
                g_v.at[buf], out_t.at[wid, pl.ds(ci * CH, CH)], sem_out))
    for cp in out_cps[-2:]:
        cp.wait()


BLK = 16384
GRID = BATCH // BLK


def _mlp_body(et_ref, w1_ref, w2_ref, b1_ref, gamma_ref, beta_ref, b2_ref,
              out_ref):
    et = et_ref[...]
    ht = lax.dot_general(w1_ref[...], et, (((0,), (0,)), ((), ())),
                         preferred_element_type=jnp.float32)
    ht = ht + b1_ref[...]
    mean = jnp.mean(ht, axis=0, keepdims=True)
    cen = ht - mean
    var = jnp.mean(cen * cen, axis=0, keepdims=True)
    ht = cen * lax.rsqrt(var + 1e-5) * gamma_ref[...] + beta_ref[...]
    ht = jnp.maximum(ht, 0.0)
    zt = lax.dot_general(w2_ref[...], ht, (((0,), (0,)), ((), ())),
                         preferred_element_type=jnp.float32)
    out_ref[...] = zt + b2_ref[...]


_mlp = pl.pallas_call(
    _mlp_body,
    grid=(GRID,),
    in_specs=[
        pl.BlockSpec((EMBED_DIM, BLK), lambda i: (0, i)),
        pl.BlockSpec((EMBED_DIM, HIDDEN_DIM), lambda i: (0, 0)),
        pl.BlockSpec((HIDDEN_DIM, LATENT_DIM), lambda i: (0, 0)),
        pl.BlockSpec((HIDDEN_DIM, 1), lambda i: (0, 0)),
        pl.BlockSpec((HIDDEN_DIM, 1), lambda i: (0, 0)),
        pl.BlockSpec((HIDDEN_DIM, 1), lambda i: (0, 0)),
        pl.BlockSpec((LATENT_DIM, 1), lambda i: (0, 0)),
    ],
    out_specs=pl.BlockSpec((LATENT_DIM, BLK), lambda i: (0, i)),
    out_shape=jax.ShapeDtypeStruct((LATENT_DIM, BATCH), jnp.float32),
)


def kernel(x, table, W1, b1, gamma, beta, W2, b2):
    et = _sc_gather(table.T, x.astype(jnp.int32))
    zt = _mlp(
        et,
        W1,
        W2,
        b1.reshape(HIDDEN_DIM, 1),
        gamma.reshape(HIDDEN_DIM, 1),
        beta.reshape(HIDDEN_DIM, 1),
        b2.reshape(LATENT_DIM, 1),
    )
    return zt.T

# --- scband reference (transcript-rebuilt; emitter-appended) ---
"""Pipeline reference for scband-action-encoder-82721070121267 (READ-ONLY COPY).

The authoritative reference and input builder live on the scoring server;
editing this copy changes nothing except your own understanding.
"""

import jax, jax.numpy as jnp
import numpy as np

NUM_ACTIONS = 100000
EMBED_DIM = 32
HIDDEN_DIM = 64
LATENT_DIM = 64
BATCH = 16384


def setup_inputs(seed: int = 0) -> dict:
    key = jax.random.key(seed)
    ks = jax.random.split(key, 8)
    x = jax.random.randint(ks[0], (BATCH,), 0, NUM_ACTIONS, dtype=jnp.int64 if jax.config.jax_enable_x64 else jnp.int32)
    table = jax.random.normal(ks[1], (NUM_ACTIONS, EMBED_DIM), dtype=jnp.float32)
    W1 = jax.random.normal(ks[2], (EMBED_DIM, HIDDEN_DIM), dtype=jnp.float32) * (1.0 / np.sqrt(EMBED_DIM))
    b1 = jnp.zeros((HIDDEN_DIM,), dtype=jnp.float32)
    gamma = jnp.ones((HIDDEN_DIM,), dtype=jnp.float32)
    beta = jnp.zeros((HIDDEN_DIM,), dtype=jnp.float32)
    W2 = jax.random.normal(ks[3], (HIDDEN_DIM, LATENT_DIM), dtype=jnp.float32) * (1.0 / np.sqrt(HIDDEN_DIM))
    b2 = jnp.zeros((LATENT_DIM,), dtype=jnp.float32)
    return {"x": x, "table": table, "W1": W1, "b1": b1, "gamma": gamma, "beta": beta, "W2": W2, "b2": b2}


def _layer_norm(h, gamma, beta, eps=1e-5):
    mean = jnp.mean(h, axis=-1, keepdims=True)
    var = jnp.var(h, axis=-1, keepdims=True)
    return (h - mean) / jnp.sqrt(var + eps) * gamma + beta


def reference(x, table, W1, b1, gamma, beta, W2, b2):
    # Embedding lookup (gather)
    e = jnp.take(table, x, axis=0)  # (B, EMBED_DIM)
    # MLP: Linear -> LayerNorm -> ReLU -> Linear
    h = e @ W1 + b1
    h = _layer_norm(h, gamma, beta)
    h = jax.nn.relu(h)
    z = h @ W2 + b2
    return z

if __name__ == "__main__":
    import jax
    _d = setup_inputs()
    print(jax.jit(kernel)(*tuple(_d.values())))

</pallas_src>

<mosaic_0001>
#map = affine_map<(d0, d1) -> (0, 0)>
#map1 = affine_map<(d0, d1) -> (0)>
module attributes {stable_mosaic.version = 14 : i64} {
  func.func @_sc_gather(%arg0: i32, %arg1: i32, %arg2: memref<32x100000xf32, #tpu.memory_space<hbm>>, %arg3: memref<16384xi32, #tpu.memory_space<hbm>>, %arg4: memref<32x16384xf32, #tpu.memory_space<hbm>>, %arg5: memref<100000xf32, #tpu.memory_space<vmem>>, %arg6: memref<16384xi32, #tpu.memory_space<vmem>>, %arg7: memref<2x4096xf32, #tpu.memory_space<vmem>>, %arg8: memref<!tpu.dma_semaphore, #tpu.memory_space<semaphore_mem>>, %arg9: memref<!tpu.dma_semaphore, #tpu.memory_space<semaphore_mem>>) attributes {dimension_semantics = [#tpu.dimension_semantics<core_parallel>, #tpu.dimension_semantics<subcore_parallel>], iteration_bounds = array<i64: 2, 16>, scalar_prefetch = 0 : i64, scratch_operands = 5 : i64, tpu.core_type = #tpu.core_type<sc_vector_subcore>, window_params = [{transform_indices = #map}, {transform_indices = #map1}, {transform_indices = #map}]} {
    %mul3A = arith.constant 2 : i32
    %mul3A_0 = arith.muli %arg1, %mul3A : i32
    %add3A = arith.addi %mul3A_0, %arg0 : i32
    %dma_start3A = arith.constant 0 : i32
    %dma_start3A_1 = tpu.memref_slice %arg2[%add3A, %dma_start3A] : memref<32x100000xf32, #tpu.memory_space<hbm>> -> memref<1x100000xf32, #tpu.memory_space<hbm>>
    %dma_start3A_2 = tpu.memref_squeeze %dma_start3A_1 : memref<1x100000xf32, #tpu.memory_space<hbm>> -> memref<100000xf32, #tpu.memory_space<hbm>>
    %dma_start3A_3 = arith.constant 0 : i32
    %dma_start3A_4 = tpu.memref_slice %arg2[%add3A, %dma_start3A_3] : memref<32x100000xf32, #tpu.memory_space<hbm>> -> memref<1x100000xf32, #tpu.memory_space<hbm>>
    %dma_start3A_5 = tpu.memref_squeeze %dma_start3A_4 : memref<1x100000xf32, #tpu.memory_space<hbm>> -> memref<100000xf32, #tpu.memory_space<hbm>>
    tpu.enqueue_dma source(%dma_start3A_5 : memref<100000xf32, #tpu.memory_space<hbm>>) target(%arg5 : memref<100000xf32, #tpu.memory_space<vmem>>) target_semaphore(%arg8 : memref<!tpu.dma_semaphore, #tpu.memory_space<semaphore_mem>>)
    "tpu.region"() ({
      %run_scoped3A = tpu.sem_alloc : memref<!tpu.dma_semaphore, #tpu.memory_space<semaphore_mem>>
      tpu.enqueue_dma source(%arg3 : memref<16384xi32, #tpu.memory_space<hbm>>) target(%arg6 : memref<16384xi32, #tpu.memory_space<vmem>>) target_semaphore(%run_scoped3A : memref<!tpu.dma_semaphore, #tpu.memory_space<semaphore_mem>>)
      tpu.wait_dma2 semaphore(%run_scoped3A : memref<!tpu.dma_semaphore, #tpu.memory_space<semaphore_mem>>) src(%arg3 : memref<16384xi32, #tpu.memory_space<hbm>>) dst(%arg6 : memref<16384xi32, #tpu.memory_space<vmem>>)
      tpu.yield
    }) : () -> ()
    %dma_wait3A = arith.constant 0 : i32
    %dma_wait3A_6 = tpu.memref_slice %arg2[%add3A, %dma_wait3A] : memref<32x100000xf32, #tpu.memory_space<hbm>> -> memref<1x100000xf32, #tpu.memory_space<hbm>>
    %dma_wait3A_7 = tpu.memref_squeeze %dma_wait3A_6 : memref<1x100000xf32, #tpu.memory_space<hbm>> -> memref<100000xf32, #tpu.memory_space<hbm>>
    %dma_wait3A_8 = arith.constant 0 : i32
    %dma_wait3A_9 = tpu.memref_slice %arg2[%add3A, %dma_wait3A_8] : memref<32x100000xf32, #tpu.memory_space<hbm>> -> memref<1x100000xf32, #tpu.memory_space<hbm>>
    %dma_wait3A_10 = tpu.memref_squeeze %dma_wait3A_9 : memref<1x100000xf32, #tpu.memory_space<hbm>> -> memref<100000xf32, #tpu.memory_space<hbm>>
    tpu.wait_dma2 semaphore(%arg8 : memref<!tpu.dma_semaphore, #tpu.memory_space<semaphore_mem>>) src(%dma_wait3A_10 : memref<100000xf32, #tpu.memory_space<hbm>>) dst(%arg5 : memref<100000xf32, #tpu.memory_space<vmem>>)
    %parallel_loop3A = arith.constant 0 : i32
    %parallel_loop3A_11 = arith.constant 4096 : i32
    %parallel_loop3A_12 = arith.constant 16 : i32
    scf.for %parallel_loop3A_126 = %parallel_loop3A to %parallel_loop3A_11 step %parallel_loop3A_12  : i32 {
      %parallel_loop3A_127 = arith.constant 0 : i32
      %parallel_loop3A_128 = arith.addi %parallel_loop3A_127, %parallel_loop3A_126 : i32
      %parallel_loop3A_129 = arith.index_cast %parallel_loop3A_128 : i32 to index
      %parallel_loop3A_130 = tpu.vector_load %arg6[%parallel_loop3A_129] {strides = array<i32>} : memref<16384xi32, #tpu.memory_space<vmem>>, vector<16xi32>,
      %parallel_loop3A_131 = tpu.vector_load_idx %arg5[%parallel_loop3A_130] : memref<100000xf32, #tpu.memory_space<vmem>>[vector<16xi32>], vector<16xf32>,
      %parallel_loop3A_132 = arith.constant 0 : i32
      %parallel_loop3A_133 = arith.index_cast %parallel_loop3A_132 : i32 to index
      %parallel_loop3A_134 = arith.index_cast %parallel_loop3A_126 : i32 to index
      %parallel_loop3A_135 = tpu.vector_load %arg7[%parallel_loop3A_133, %parallel_loop3A_134] {strides = array<i32>} : memref<2x4096xf32, #tpu.memory_space<vmem>>, vector<16xf32>,
      tpu.vector_store %arg7[%parallel_loop3A_133, %parallel_loop3A_134], %parallel_loop3A_131 {strides = array<i32>} : memref<2x4096xf32, #tpu.memory_space<vmem>>, vector<16xf32>,
    } {sc.loop_unroll_factor = 16 : i64, sc.parallel_access}
    %dma_start3A_13 = arith.constant 0 : i32
    %dma_start3A_14 = arith.constant 0 : i32
    %dma_start3A_15 = tpu.memref_slice %arg7[%dma_start3A_13, %dma_start3A_14] : memref<2x4096xf32, #tpu.memory_space<vmem>> -> memref<1x4096xf32, #tpu.memory_space<vmem>>
    %dma_start3A_16 = tpu.memref_squeeze %dma_start3A_15 : memref<1x4096xf32, #tpu.memory_space<vmem>> -> memref<4096xf32, #tpu.memory_space<vmem>>
    %dma_start3A_17 = arith.constant 0 : i32
    %dma_start3A_18 = tpu.memref_slice %arg4[%add3A, %dma_start3A_17] : memref<32x16384xf32, #tpu.memory_space<hbm>> -> memref<1x4096xf32, #tpu.memory_space<hbm>>
    %dma_start3A_19 = tpu.memref_squeeze %dma_start3A_18 : memref<1x4096xf32, #tpu.memory_space<hbm>> -> memref<4096xf32, #tpu.memory_space<hbm>>
    %dma_start3A_20 = arith.constant 0 : i32
    %dma_start3A_21 = tpu.memref_slice %arg4[%add3A, %dma_start3A_20] : memref<32x16384xf32, #tpu.memory_space<hbm>> -> memref<1x4096xf32, #tpu.memory_space<hbm>>
    %dma_start3A_22 = tpu.memref_squeeze %dma_start3A_21 : memref<1x4096xf32, #tpu.memory_space<hbm>> -> memref<4096xf32, #tpu.memory_space<hbm>>
    %dma_start3A_23 = arith.constant 0 : i32
    %dma_start3A_24 = tpu.memref_slice %arg7[%dma_start3A_13, %dma_start3A_23] : memref<2x4096xf32, #tpu.memory_space<vmem>> -> memref<1x4096xf32, #tpu.memory_space<vmem>>
    %dma_start3A_25 = tpu.memref_squeeze %dma_start3A_24 : memref<1x4096xf32, #tpu.memory_space<vmem>> -> memref<4096xf32, #tpu.memory_space<vmem>>
    tpu.enqueue_dma source(%dma_start3A_25 : memref<4096xf32, #tpu.memory_space<vmem>>) target(%dma_start3A_22 : memref<4096xf32, #tpu.memory_space<hbm>>) target_semaphore(%arg9 : memref<!tpu.dma_semaphore, #tpu.memory_space<semaphore_mem>>)
    %parallel_loop3A_26 = arith.constant 0 : i32
    %parallel_loop3A_27 = arith.constant 4096 : i32
    %parallel_loop3A_28 = arith.constant 16 : i32
    scf.for %parallel_loop3A_126 = %parallel_loop3A_26 to %parallel_loop3A_27 step %parallel_loop3A_28  : i32 {
      %parallel_loop3A_127 = arith.constant 4096 : i32
      %parallel_loop3A_128 = arith.addi %parallel_loop3A_127, %parallel_loop3A_126 : i32
      %parallel_loop3A_129 = arith.index_cast %parallel_loop3A_128 : i32 to index
      %parallel_loop3A_130 = tpu.vector_load %arg6[%parallel_loop3A_129] {strides = array<i32>} : memref<16384xi32, #tpu.memory_space<vmem>>, vector<16xi32>,
      %parallel_loop3A_131 = tpu.vector_load_idx %arg5[%parallel_loop3A_130] : memref<100000xf32, #tpu.memory_space<vmem>>[vector<16xi32>], vector<16xf32>,
      %parallel_loop3A_132 = arith.constant 1 : i32
      %parallel_loop3A_133 = arith.index_cast %parallel_loop3A_132 : i32 to index
      %parallel_loop3A_134 = arith.index_cast %parallel_loop3A_126 : i32 to index
      %parallel_loop3A_135 = tpu.vector_load %arg7[%parallel_loop3A_133, %parallel_loop3A_134] {strides = array<i32>} : memref<2x4096xf32, #tpu.memory_space<vmem>>, vector<16xf32>,
      tpu.vector_store %arg7[%parallel_loop3A_133, %parallel_loop3A_134], %parallel_loop3A_131 {strides = array<i32>} : memref<2x4096xf32, #tpu.memory_space<vmem>>, vector<16xf32>,
    } {sc.loop_unroll_factor = 16 : i64, sc.parallel_access}
    %dma_start3A_29 = arith.constant 1 : i32
    %dma_start3A_30 = arith.constant 0 : i32
    %dma_start3A_31 = tpu.memref_slice %arg7[%dma_start3A_29, %dma_start3A_30] : memref<2x4096xf32, #tpu.memory_space<vmem>> -> memref<1x4096xf32, #tpu.memory_space<vmem>>
    %dma_start3A_32 = tpu.memref_squeeze %dma_start3A_31 : memref<1x4096xf32, #tpu.memory_space<vmem>> -> memref<4096xf32, #tpu.memory_space<vmem>>
    %dma_start3A_33 = arith.constant 4096 : i32
    %dma_start3A_34 = tpu.memref_slice %arg4[%add3A, %dma_start3A_33] : memref<32x16384xf32, #tpu.memory_space<hbm>> -> memref<1x4096xf32, #tpu.memory_space<hbm>>
    %dma_start3A_35 = tpu.memref_squeeze %dma_start3A_34 : memref<1x4096xf32, #tpu.memory_space<hbm>> -> memref<4096xf32, #tpu.memory_space<hbm>>
    %dma_start3A_36 = arith.constant 4096 : i32
    %dma_start3A_37 = tpu.memref_slice %arg4[%add3A, %dma_start3A_36] : memref<32x16384xf32, #tpu.memory_space<hbm>> -> memref<1x4096xf32, #tpu.memory_space<hbm>>
    %dma_start3A_38 = tpu.memref_squeeze %dma_start3A_37 : memref<1x4096xf32, #tpu.memory_space<hbm>> -> memref<4096xf32, #tpu.memory_space<hbm>>
    %dma_start3A_39 = arith.constant 0 : i32
    %dma_start3A_40 = tpu.memref_slice %arg7[%dma_start3A_29, %dma_start3A_39] : memref<2x4096xf32, #tpu.memory_space<vmem>> -> memref<1x4096xf32, #tpu.memory_space<vmem>>
    %dma_start3A_41 = tpu.memref_squeeze %dma_start3A_40 : memref<1x4096xf32, #tpu.memory_space<vmem>> -> memref<4096xf32, #tpu.memory_space<vmem>>
    tpu.enqueue_dma source(%dma_start3A_41 : memref<4096xf32, #tpu.memory_space<vmem>>) target(%dma_start3A_38 : memref<4096xf32, #tpu.memory_space<hbm>>) target_semaphore(%arg9 : memref<!tpu.dma_semaphore, #tpu.memory_space<semaphore_mem>>)
    %dma_wait3A_42 = arith.constant 0 : i32
    %dma_wait3A_43 = arith.constant 0 : i32
    %dma_wait3A_44 = tpu.memref_slice %arg7[%dma_wait3A_42, %dma_wait3A_43] : memref<2x4096xf32, #tpu.memory_space<vmem>> -> memref<1x4096xf32, #tpu.memory_space<vmem>>
    %dma_wait3A_45 = tpu.memref_squeeze %dma_wait3A_44 : memref<1x4096xf32, #tpu.memory_space<vmem>> -> memref<4096xf32, #tpu.memory_space<vmem>>
    %dma_wait3A_46 = arith.constant 0 : i32
    %dma_wait3A_47 = tpu.memref_slice %arg4[%add3A, %dma_wait3A_46] : memref<32x16384xf32, #tpu.memory_space<hbm>> -> memref<1x4096xf32, #tpu.memory_space<hbm>>
    %dma_wait3A_48 = tpu.memref_squeeze %dma_wait3A_47 : memref<1x4096xf32, #tpu.memory_space<hbm>> -> memref<4096xf32, #tpu.memory_space<hbm>>
    %dma_wait3A_49 = arith.constant 0 : i32
    %dma_wait3A_50 = tpu.memref_slice %arg4[%add3A, %dma_wait3A_49] : memref<32x16384xf32, #tpu.memory_space<hbm>> -> memref<1x4096xf32, #tpu.memory_space<hbm>>
    %dma_wait3A_51 = tpu.memref_squeeze %dma_wait3A_50 : memref<1x4096xf32, #tpu.memory_space<hbm>> -> memref<4096xf32, #tpu.memory_space<hbm>>
    %dma_wait3A_52 = arith.constant 0 : i32
    %dma_wait3A_53 = tpu.memref_slice %arg7[%dma_wait3A_42, %dma_wait3A_52] : memref<2x4096xf32, #tpu.memory_space<vmem>> -> memref<1x4096xf32, #tpu.memory_space<vmem>>
    %dma_wait3A_54 = tpu.memref_squeeze %dma_wait3A_53 : memref<1x4096xf32, #tpu.memory_space<vmem>> -> memref<4096xf32, #tpu.memory_space<vmem>>
    tpu.wait_dma2 semaphore(%arg9 : memref<!tpu.dma_semaphore, #tpu.memory_space<semaphore_mem>>) src(%dma_wait3A_54 : memref<4096xf32, #tpu.memory_space<vmem>>) dst(%dma_wait3A_51 : memref<4096xf32, #tpu.memory_space<hbm>>)
    %parallel_loop3A_55 = arith.constant 0 : i32
    %parallel_loop3A_56 = arith.constant 4096 : i32
    %parallel_loop3A_57 = arith.constant 16 : i32
    scf.for %parallel_loop3A_126 = %parallel_loop3A_55 to %parallel_loop3A_56 step %parallel_loop3A_57  : i32 {
      %parallel_loop3A_127 = arith.constant 8192 : i32
      %parallel_loop3A_128 = arith.addi %parallel_loop3A_127, %parallel_loop3A_126 : i32
      %parallel_loop3A_129 = arith.index_cast %parallel_loop3A_128 : i32 to index
      %parallel_loop3A_130 = tpu.vector_load %arg6[%parallel_loop3A_129] {strides = array<i32>} : memref<16384xi32, #tpu.memory_space<vmem>>, vector<16xi32>,
      %parallel_loop3A_131 = tpu.vector_load_idx %arg5[%parallel_loop3A_130] : memref<100000xf32, #tpu.memory_space<vmem>>[vector<16xi32>], vector<16xf32>,
      %parallel_loop3A_132 = arith.constant 0 : i32
      %parallel_loop3A_133 = arith.index_cast %parallel_loop3A_132 : i32 to index
      %parallel_loop3A_134 = arith.index_cast %parallel_loop3A_126 : i32 to index
      %parallel_loop3A_135 = tpu.vector_load %arg7[%parallel_loop3A_133, %parallel_loop3A_134] {strides = array<i32>} : memref<2x4096xf32, #tpu.memory_space<vmem>>, vector<16xf32>,
      tpu.vector_store %arg7[%parallel_loop3A_133, %parallel_loop3A_134], %parallel_loop3A_131 {strides = array<i32>} : memref<2x4096xf32, #tpu.memory_space<vmem>>, vector<16xf32>,
    } {sc.loop_unroll_factor = 16 : i64, sc.parallel_access}
    %dma_start3A_58 = arith.constant 0 : i32
    %dma_start3A_59 = arith.constant 0 : i32
    %dma_start3A_60 = tpu.memref_slice %arg7[%dma_start3A_58, %dma_start3A_59] : memref<2x4096xf32, #tpu.memory_space<vmem>> -> memref<1x4096xf32, #tpu.memory_space<vmem>>
    %dma_start3A_61 = tpu.memref_squeeze %dma_start3A_60 : memref<1x4096xf32, #tpu.memory_space<vmem>> -> memref<4096xf32, #tpu.memory_space<vmem>>
    %dma_start3A_62 = arith.constant 8192 : i32
    %dma_start3A_63 = tpu.memref_slice %arg4[%add3A, %dma_start3A_62] : memref<32x16384xf32, #tpu.memory_space<hbm>> -> memref<1x4096xf32, #tpu.memory_space<hbm>>
    %dma_start3A_64 = tpu.memref_squeeze %dma_start3A_63 : memref<1x4096xf32, #tpu.memory_space<hbm>> -> memref<4096xf32, #tpu.memory_space<hbm>>
    %dma_start3A_65 = arith.constant 8192 : i32
    %dma_start3A_66 = tpu.memref_slice %arg4[%add3A, %dma_start3A_65] : memref<32x16384xf32, #tpu.memory_space<hbm>> -> memref<1x4096xf32, #tpu.memory_space<hbm>>
    %dma_start3A_67 = tpu.memref_squeeze %dma_start3A_66 : memref<1x4096xf32, #tpu.memory_space<hbm>> -> memref<4096xf32, #tpu.memory_space<hbm>>
    %dma_start3A_68 = arith.constant 0 : i32
    %dma_start3A_69 = tpu.memref_slice %arg7[%dma_start3A_58, %dma_start3A_68] : memref<2x4096xf32, #tpu.memory_space<vmem>> -> memref<1x4096xf32, #tpu.memory_space<vmem>>
    %dma_start3A_70 = tpu.memref_squeeze %dma_start3A_69 : memref<1x4096xf32, #tpu.memory_space<vmem>> -> memref<4096xf32, #tpu.memory_space<vmem>>
    tpu.enqueue_dma source(%dma_start3A_70 : memref<4096xf32, #tpu.memory_space<vmem>>) target(%dma_start3A_67 : memref<4096xf32, #tpu.memory_space<hbm>>) target_semaphore(%arg9 : memref<!tpu.dma_semaphore, #tpu.memory_space<semaphore_mem>>)
    %dma_wait3A_71 = arith.constant 1 : i32
    %dma_wait3A_72 = arith.constant 0 : i32
    %dma_wait3A_73 = tpu.memref_slice %arg7[%dma_wait3A_71, %dma_wait3A_72] : memref<2x4096xf32, #tpu.memory_space<vmem>> -> memref<1x4096xf32, #tpu.memory_space<vmem>>
    %dma_wait3A_74 = tpu.memref_squeeze %dma_wait3A_73 : memref<1x4096xf32, #tpu.memory_space<vmem>> -> memref<4096xf32, #tpu.memory_space<vmem>>
    %dma_wait3A_75 = arith.constant 4096 : i32
    %dma_wait3A_76 = tpu.memref_slice %arg4[%add3A, %dma_wait3A_75] : memref<32x16384xf32, #tpu.memory_space<hbm>> -> memref<1x4096xf32, #tpu.memory_space<hbm>>
    %dma_wait3A_77 = tpu.memref_squeeze %dma_wait3A_76 : memref<1x4096xf32, #tpu.memory_space<hbm>> -> memref<4096xf32, #tpu.memory_space<hbm>>
    %dma_wait3A_78 = arith.constant 4096 : i32
    %dma_wait3A_79 = tpu.memref_slice %arg4[%add3A, %dma_wait3A_78] : memref<32x16384xf32, #tpu.memory_space<hbm>> -> memref<1x4096xf32, #tpu.memory_space<hbm>>
    %dma_wait3A_80 = tpu.memref_squeeze %dma_wait3A_79 : memref<1x4096xf32, #tpu.memory_space<hbm>> -> memref<4096xf32, #tpu.memory_space<hbm>>
    %dma_wait3A_81 = arith.constant 0 : i32
    %dma_wait3A_82 = tpu.memref_slice %arg7[%dma_wait3A_71, %dma_wait3A_81] : memref<2x4096xf32, #tpu.memory_space<vmem>> -> memref<1x4096xf32, #tpu.memory_space<vmem>>
    %dma_wait3A_83 = tpu.memref_squeeze %dma_wait3A_82 : memref<1x4096xf32, #tpu.memory_space<vmem>> -> memref<4096xf32, #tpu.memory_space<vmem>>
    tpu.wait_dma2 semaphore(%arg9 : memref<!tpu.dma_semaphore, #tpu.memory_space<semaphore_mem>>) src(%dma_wait3A_83 : memref<4096xf32, #tpu.memory_space<vmem>>) dst(%dma_wait3A_80 : memref<4096xf32, #tpu.memory_space<hbm>>)
    %parallel_loop3A_84 = arith.constant 0 : i32
    %parallel_loop3A_85 = arith.constant 4096 : i32
    %parallel_loop3A_86 = arith.constant 16 : i32
    scf.for %parallel_loop3A_126 = %parallel_loop3A_84 to %parallel_loop3A_85 step %parallel_loop3A_86  : i32 {
      %parallel_loop3A_127 = arith.constant 12288 : i32
      %parallel_loop3A_128 = arith.addi %parallel_loop3A_127, %parallel_loop3A_126 : i32
      %parallel_loop3A_129 = arith.index_cast %parallel_loop3A_128 : i32 to index
      %parallel_loop3A_130 = tpu.vector_load %arg6[%parallel_loop3A_129] {strides = array<i32>} : memref<16384xi32, #tpu.memory_space<vmem>>, vector<16xi32>,
      %parallel_loop3A_131 = tpu.vector_load_idx %arg5[%parallel_loop3A_130] : memref<100000xf32, #tpu.memory_space<vmem>>[vector<16xi32>], vector<16xf32>,
      %parallel_loop3A_132 = arith.constant 1 : i32
      %parallel_loop3A_133 = arith.index_cast %parallel_loop3A_132 : i32 to index
      %parallel_loop3A_134 = arith.index_cast %parallel_loop3A_126 : i32 to index
      %parallel_loop3A_135 = tpu.vector_load %arg7[%parallel_loop3A_133, %parallel_loop3A_134] {strides = array<i32>} : memref<2x4096xf32, #tpu.memory_space<vmem>>, vector<16xf32>,
      tpu.vector_store %arg7[%parallel_loop3A_133, %parallel_loop3A_134], %parallel_loop3A_131 {strides = array<i32>} : memref<2x4096xf32, #tpu.memory_space<vmem>>, vector<16xf32>,
    } {sc.loop_unroll_factor = 16 : i64, sc.parallel_access}
    %dma_start3A_87 = arith.constant 1 : i32
    %dma_start3A_88 = arith.constant 0 : i32
    %dma_start3A_89 = tpu.memref_slice %arg7[%dma_start3A_87, %dma_start3A_88] : memref<2x4096xf32, #tpu.memory_space<vmem>> -> memref<1x4096xf32, #tpu.memory_space<vmem>>
    %dma_start3A_90 = tpu.memref_squeeze %dma_start3A_89 : memref<1x4096xf32, #tpu.memory_space<vmem>> -> memref<4096xf32, #tpu.memory_space<vmem>>
    %dma_start3A_91 = arith.constant 12288 : i32
    %dma_start3A_92 = tpu.memref_slice %arg4[%add3A, %dma_start3A_91] : memref<32x16384xf32, #tpu.memory_space<hbm>> -> memref<1x4096xf32, #tpu.memory_space<hbm>>
    %dma_start3A_93 = tpu.memref_squeeze %dma_start3A_92 : memref<1x4096xf32, #tpu.memory_space<hbm>> -> memref<4096xf32, #tpu.memory_space<hbm>>
    %dma_start3A_94 = arith.constant 12288 : i32
    %dma_start3A_95 = tpu.memref_slice %arg4[%add3A, %dma_start3A_94] : memref<32x16384xf32, #tpu.memory_space<hbm>> -> memref<1x4096xf32, #tpu.memory_space<hbm>>
    %dma_start3A_96 = tpu.memref_squeeze %dma_start3A_95 : memref<1x4096xf32, #tpu.memory_space<hbm>> -> memref<4096xf32, #tpu.memory_space<hbm>>
    %dma_start3A_97 = arith.constant 0 : i32
    %dma_start3A_98 = tpu.memref_slice %arg7[%dma_start3A_87, %dma_start3A_97] : memref<2x4096xf32, #tpu.memory_space<vmem>> -> memref<1x4096xf32, #tpu.memory_space<vmem>>
    %dma_start3A_99 = tpu.memref_squeeze %dma_start3A_98 : memref<1x4096xf32, #tpu.memory_space<vmem>> -> memref<4096xf32, #tpu.memory_space<vmem>>
    tpu.enqueue_dma source(%dma_start3A_99 : memref<4096xf32, #tpu.memory_space<vmem>>) target(%dma_start3A_96 : memref<4096xf32, #tpu.memory_space<hbm>>) target_semaphore(%arg9 : memref<!tpu.dma_semaphore, #tpu.memory_space<semaphore_mem>>)
    %dma_wait3A_100 = arith.constant 0 : i32
    %dma_wait3A_101 = arith.constant 0 : i32
    %dma_wait3A_102 = tpu.memref_slice %arg7[%dma_wait3A_100, %dma_wait3A_101] : memref<2x4096xf32, #tpu.memory_space<vmem>> -> memref<1x4096xf32, #tpu.memory_space<vmem>>
    %dma_wait3A_103 = tpu.memref_squeeze %dma_wait3A_102 : memref<1x4096xf32, #tpu.memory_space<vmem>> -> memref<4096xf32, #tpu.memory_space<vmem>>
    %dma_wait3A_104 = arith.constant 8192 : i32
    %dma_wait3A_105 = tpu.memref_slice %arg4[%add3A, %dma_wait3A_104] : memref<32x16384xf32, #tpu.memory_space<hbm>> -> memref<1x4096xf32, #tpu.memory_space<hbm>>
    %dma_wait3A_106 = tpu.memref_squeeze %dma_wait3A_105 : memref<1x4096xf32, #tpu.memory_space<hbm>> -> memref<4096xf32, #tpu.memory_space<hbm>>
    %dma_wait3A_107 = arith.constant 8192 : i32
    %dma_wait3A_108 = tpu.memref_slice %arg4[%add3A, %dma_wait3A_107] : memref<32x16384xf32, #tpu.memory_space<hbm>> -> memref<1x4096xf32, #tpu.memory_space<hbm>>
    %dma_wait3A_109 = tpu.memref_squeeze %dma_wait3A_108 : memref<1x4096xf32, #tpu.memory_space<hbm>> -> memref<4096xf32, #tpu.memory_space<hbm>>
    %dma_wait3A_110 = arith.constant 0 : i32
    %dma_wait3A_111 = tpu.memref_slice %arg7[%dma_wait3A_100, %dma_wait3A_110] : memref<2x4096xf32, #tpu.memory_space<vmem>> -> memref<1x4096xf32, #tpu.memory_space<vmem>>
    %dma_wait3A_112 = tpu.memref_squeeze %dma_wait3A_111 : memref<1x4096xf32, #tpu.memory_space<vmem>> -> memref<4096xf32, #tpu.memory_space<vmem>>
    tpu.wait_dma2 semaphore(%arg9 : memref<!tpu.dma_semaphore, #tpu.memory_space<semaphore_mem>>) src(%dma_wait3A_112 : memref<4096xf32, #tpu.memory_space<vmem>>) dst(%dma_wait3A_109 : memref<4096xf32, #tpu.memory_space<hbm>>)
    %dma_wait3A_113 = arith.constant 1 : i32
    %dma_wait3A_114 = arith.constant 0 : i32
    %dma_wait3A_115 = tpu.memref_slice %arg7[%dma_wait3A_113, %dma_wait3A_114] : memref<2x4096xf32, #tpu.memory_space<vmem>> -> memref<1x4096xf32, #tpu.memory_space<vmem>>
    %dma_wait3A_116 = tpu.memref_squeeze %dma_wait3A_115 : memref<1x4096xf32, #tpu.memory_space<vmem>> -> memref<4096xf32, #tpu.memory_space<vmem>>
    %dma_wait3A_117 = arith.constant 12288 : i32
    %dma_wait3A_118 = tpu.memref_slice %arg4[%add3A, %dma_wait3A_117] : memref<32x16384xf32, #tpu.memory_space<hbm>> -> memref<1x4096xf32, #tpu.memory_space<hbm>>
    %dma_wait3A_119 = tpu.memref_squeeze %dma_wait3A_118 : memref<1x4096xf32, #tpu.memory_space<hbm>> -> memref<4096xf32, #tpu.memory_space<hbm>>
    %dma_wait3A_120 = arith.constant 12288 : i32
    %dma_wait3A_121 = tpu.memref_slice %arg4[%add3A, %dma_wait3A_120] : memref<32x16384xf32, #tpu.memory_space<hbm>> -> memref<1x4096xf32, #tpu.memory_space<hbm>>
    %dma_wait3A_122 = tpu.memref_squeeze %dma_wait3A_121 : memref<1x4096xf32, #tpu.memory_space<hbm>> -> memref<4096xf32, #tpu.memory_space<hbm>>
    %dma_wait3A_123 = arith.constant 0 : i32
    %dma_wait3A_124 = tpu.memref_slice %arg7[%dma_wait3A_113, %dma_wait3A_123] : memref<2x4096xf32, #tpu.memory_space<vmem>> -> memref<1x4096xf32, #tpu.memory_space<vmem>>
    %dma_wait3A_125 = tpu.memref_squeeze %dma_wait3A_124 : memref<1x4096xf32, #tpu.memory_space<vmem>> -> memref<4096xf32, #tpu.memory_space<vmem>>
    tpu.wait_dma2 semaphore(%arg9 : memref<!tpu.dma_semaphore, #tpu.memory_space<semaphore_mem>>) src(%dma_wait3A_125 : memref<4096xf32, #tpu.memory_space<vmem>>) dst(%dma_wait3A_122 : memref<4096xf32, #tpu.memory_space<hbm>>)
    return
  }
}

module attributes {stable_mosaic.version = 14 : i64} {
  func.func @_mlp_body(%arg0: i32, %arg1: memref<32x16384xf32, #tpu.memory_space<vmem>>, %arg2: memref<32x64xf32, #tpu.memory_space<vmem>>, %arg3: memref<64x64xf32, #tpu.memory_space<vmem>>, %arg4: memref<64x1xf32, #tpu.memory_space<vmem>>, %arg5: memref<64x1xf32, #tpu.memory_space<vmem>>, %arg6: memref<64x1xf32, #tpu.memory_space<vmem>>, %arg7: memref<64x1xf32, #tpu.memory_space<vmem>>, %arg8: memref<64x16384xf32, #tpu.memory_space<vmem>>) attributes {dimension_semantics = [#tpu.dimension_semantics<arbitrary>], iteration_bounds = array<i64: 1>, scalar_prefetch = 0 : i64, scratch_operands = 0 : i64, tpu.core_type = #tpu.core_type<tc>, window_params = [{transform_indices = @transform_0, window_bounds = array<i64: 32, 16384>}, {pipeline_mode = #tpu.pipeline_mode<synchronous>, transform_indices = @transform_1, window_bounds = array<i64: 32, 64>}, {pipeline_mode = #tpu.pipeline_mode<synchronous>, transform_indices = @transform_2, window_bounds = array<i64: 64, 64>}, {pipeline_mode = #tpu.pipeline_mode<synchronous>, transform_indices = @transform_3, window_bounds = array<i64: 64, 1>}, {pipeline_mode = #tpu.pipeline_mode<synchronous>, transform_indices = @transform_4, window_bounds = array<i64: 64, 1>}, {pipeline_mode = #tpu.pipeline_mode<synchronous>, transform_indices = @transform_5, window_bounds = array<i64: 64, 1>}, {pipeline_mode = #tpu.pipeline_mode<synchronous>, transform_indices = @transform_6, window_bounds = array<i64: 64, 1>}, {transform_indices = @transform_7, window_bounds = array<i64: 64, 16384>}]} {
    %get3A = arith.constant 0 : index
    %get3A_0 = arith.constant 0 : index
    %get3A_1 = vector.load %arg1[%get3A, %get3A_0] : memref<32x16384xf32, #tpu.memory_space<vmem>>, vector<32x16384xf32>
    %get3A_2 = arith.constant 0 : index
    %get3A_3 = arith.constant 0 : index
    %get3A_4 = vector.load %arg2[%get3A_2, %get3A_3] : memref<32x64xf32, #tpu.memory_space<vmem>>, vector<32x64xf32>
    %dot_general3A = arith.constant dense<0.000000e+00> : vector<64x16384xf32>
    %dot_general3A_5 = tpu.matmul %get3A_4, %get3A_1, %dot_general3A {dimension_numbers = #tpu.dot_dimension_numbers<[0], [0], [1], [1], [0, 1, 1, 1], [], []>, transpose_lhs_hint = false} : vector<32x64xf32>, vector<32x16384xf32>, vector<64x16384xf32> -> vector<64x16384xf32>
    %get3A_6 = arith.constant 0 : index
    %get3A_7 = arith.constant 0 : index
    %get3A_8 = vector.load %arg4[%get3A_6, %get3A_7] : memref<64x1xf32, #tpu.memory_space<vmem>>, vector<64x1xf32>
    %add3A = vector.broadcast %get3A_8 : vector<64x1xf32> to vector<64x16384xf32>
    %add3A_9 = arith.addf %dot_general3A_5, %add3A : vector<64x16384xf32>
    %reduce_sum3A = arith.constant dense<0.000000e+00> : vector<16384xf32>
    %reduce_sum3A_10 = vector.multi_reduction <add>, %add3A_9, %reduce_sum3A [0] : vector<64x16384xf32> to vector<16384xf32>
    %broadcast_in_dim3A = vector.shape_cast %reduce_sum3A_10 : vector<16384xf32> to vector<1x16384xf32>
    %div3A = arith.constant 6.400000e+01 : f32
    %div3A_11 = vector.broadcast %div3A : f32 to vector<1x16384xf32>
    %div3A_12 = arith.divf %broadcast_in_dim3A, %div3A_11 : vector<1x16384xf32>
    %sub3A = vector.broadcast %div3A_12 : vector<1x16384xf32> to vector<64x16384xf32>
    %sub3A_13 = arith.subf %add3A_9, %sub3A : vector<64x16384xf32>
    %mul3A = arith.mulf %sub3A_13, %sub3A_13 : vector<64x16384xf32>
    %reduce_sum3A_14 = arith.constant dense<0.000000e+00> : vector<16384xf32>
    %reduce_sum3A_15 = vector.multi_reduction <add>, %mul3A, %reduce_sum3A_14 [0] : vector<64x16384xf32> to vector<16384xf32>
    %broadcast_in_dim3A_16 = vector.shape_cast %reduce_sum3A_15 : vector<16384xf32> to vector<1x16384xf32>
    %div3A_17 = arith.constant 6.400000e+01 : f32
    %div3A_18 = vector.broadcast %div3A_17 : f32 to vector<1x16384xf32>
    %div3A_19 = arith.divf %broadcast_in_dim3A_16, %div3A_18 : vector<1x16384xf32>
    %add3A_20 = arith.constant 9.99999974E-6 : f32
    %add3A_21 = vector.broadcast %add3A_20 : f32 to vector<1x16384xf32>
    %add3A_22 = arith.addf %div3A_19, %add3A_21 : vector<1x16384xf32>
    %rsqrt3A = math.rsqrt %add3A_22 : vector<1x16384xf32>
    %mul3A_23 = vector.broadcast %rsqrt3A : vector<1x16384xf32> to vector<64x16384xf32>
    %mul3A_24 = arith.mulf %sub3A_13, %mul3A_23 : vector<64x16384xf32>
    %get3A_25 = arith.constant 0 : index
    %get3A_26 = arith.constant 0 : index
    %get3A_27 = vector.load %arg5[%get3A_25, %get3A_26] : memref<64x1xf32, #tpu.memory_space<vmem>>, vector<64x1xf32>
    %mul3A_28 = vector.broadcast %get3A_27 : vector<64x1xf32> to vector<64x16384xf32>
    %mul3A_29 = arith.mulf %mul3A_24, %mul3A_28 : vector<64x16384xf32>
    %get3A_30 = arith.constant 0 : index
    %get3A_31 = arith.constant 0 : index
    %get3A_32 = vector.load %arg6[%get3A_30, %get3A_31] : memref<64x1xf32, #tpu.memory_space<vmem>>, vector<64x1xf32>
    %add3A_33 = vector.broadcast %get3A_32 : vector<64x1xf32> to vector<64x16384xf32>
    %add3A_34 = arith.addf %mul3A_29, %add3A_33 : vector<64x16384xf32>
    %max3A = arith.constant 0.000000e+00 : f32
    %max3A_35 = vector.broadcast %max3A : f32 to vector<64x16384xf32>
    %max3A_36 = arith.maximumf %add3A_34, %max3A_35 : vector<64x16384xf32>
    %get3A_37 = arith.constant 0 : index
    %get3A_38 = arith.constant 0 : index
    %get3A_39 = vector.load %arg3[%get3A_37, %get3A_38] : memref<64x64xf32, #tpu.memory_space<vmem>>, vector<64x64xf32>
    %dot_general3A_40 = arith.constant dense<0.000000e+00> : vector<64x16384xf32>
    %dot_general3A_41 = tpu.matmul %get3A_39, %max3A_36, %dot_general3A_40 {dimension_numbers = #tpu.dot_dimension_numbers<[0], [0], [1], [1], [0, 1, 1, 1], [], []>, transpose_lhs_hint = false} : vector<64x64xf32>, vector<64x16384xf32>, vector<64x16384xf32> -> vector<64x16384xf32>
    %get3A_42 = arith.constant 0 : index
    %get3A_43 = arith.constant 0 : index
    %get3A_44 = vector.load %arg7[%get3A_42, %get3A_43] : memref<64x1xf32, #tpu.memory_space<vmem>>, vector<64x1xf32>
    %add3A_45 = vector.broadcast %get3A_44 : vector<64x1xf32> to vector<64x16384xf32>
    %add3A_46 = arith.addf %dot_general3A_41, %add3A_45 : vector<64x16384xf32>
    %swap3A = arith.constant 0 : index
    %swap3A_47 = arith.constant 0 : index
    %swap3A_48 = vector.load %arg8[%swap3A, %swap3A_47] : memref<64x16384xf32, #tpu.memory_space<vmem>>, vector<64x16384xf32>
    tpu.vector_store %arg8[%swap3A, %swap3A_47], %add3A_46 {strides = array<i32>} : memref<64x16384xf32, #tpu.memory_space<vmem>>, vector<64x16384xf32>,
    return
  }
  func.func @transform_0(%arg0: i32) -> (i32, i32) {
    %c0_i32 = arith.constant 0 : i32
    %c0_i32_0 = arith.constant 0 : i32
    return %c0_i32, %arg0 : i32, i32
  }
  func.func @transform_1(%arg0: i32) -> (i32, i32) {
    %c0_i32 = arith.constant 0 : i32
    %c0_i32_0 = arith.constant 0 : i32
    %c0_i32_1 = arith.constant 0 : i32
    return %c0_i32, %c0_i32_0 : i32, i32
  }
  func.func @transform_2(%arg0: i32) -> (i32, i32) {
    %c0_i32 = arith.constant 0 : i32
    %c0_i32_0 = arith.constant 0 : i32
    %c0_i32_1 = arith.constant 0 : i32
    return %c0_i32, %c0_i32_0 : i32, i32
  }
  func.func @transform_3(%arg0: i32) -> (i32, i32) {
    %c0_i32 = arith.constant 0 : i32
    %c0_i32_0 = arith.constant 0 : i32
    %c0_i32_1 = arith.constant 0 : i32
    return %c0_i32, %c0_i32_0 : i32, i32
  }
  func.func @transform_4(%arg0: i32) -> (i32, i32) {
    %c0_i32 = arith.constant 0 : i32
    %c0_i32_0 = arith.constant 0 : i32
    %c0_i32_1 = arith.constant 0 : i32
    return %c0_i32, %c0_i32_0 : i32, i32
  }
  func.func @transform_5(%arg0: i32) -> (i32, i32) {
    %c0_i32 = arith.constant 0 : i32
    %c0_i32_0 = arith.constant 0 : i32
    %c0_i32_1 = arith.constant 0 : i32
    return %c0_i32, %c0_i32_0 : i32, i32
  }
  func.func @transform_6(%arg0: i32) -> (i32, i32) {
    %c0_i32 = arith.constant 0 : i32
    %c0_i32_0 = arith.constant 0 : i32
    %c0_i32_1 = arith.constant 0 : i32
    return %c0_i32, %c0_i32_0 : i32, i32
  }
  func.func @transform_7(%arg0: i32) -> (i32, i32) {
    %c0_i32 = arith.constant 0 : i32
    %c0_i32_0 = arith.constant 0 : i32
    return %c0_i32, %arg0 : i32, i32
  }
}

</mosaic_0001>

<sc_bundles>
// kernel: kernel.4.cloned.1.call-start
scs
__scs_entry_jumppad:
0x0: {  	(pc) =	sbr.rel $0x88, $3  }
0x1: {  	(tag) =	ssettag $0x0;
	lr =	simm.s32 $0x1  }
0x2: {  	[smem:$0x3F99] =	sst lr;
	_ =	strace $0xD0000000  }
0x3: {  	_ = 	snop  }
0x4: {  	_ = 	snop  }
0x5: {  	_ = 	snop  }
0x6: {  	_ = 	snop  }
0x7: {  	_ = 	snop  }
__scs_overlays_trampoline_lowered:
0x8: {  	[smem:$0x3FA8] =	sst s0  }
0x9: {  	[smem:$0x3FA9] =	sst s1  }
0xa: {  	[smem:$0x3FAA] =	sst s2  }
0xb: {  	[smem:$0x3FAB] =	sst s3  }
0xc: {  	[smem:$0x3FAC] =	sst s4  }
0xd: {  	[smem:$0x3FAD] =	sst s5  }
0xe: {  	[smem:$0x3FAE] =	sst s6  }
0xf: {  	[smem:$0x3FAF] =	sst s7  }
0x10: {  	[smem:$0x3FB0] =	sst s8  }
0x11: {  	[smem:$0x3FB1] =	sst s9;
	s0 =	simm.s32 @!p0 $0x0  }
0x12: {  	s1 =	sld [smem:$0x3F97];
	s0 =	simm.s32 @p0 $0x1  }
0x13: {  	[smem:$0x3FB2] =	sst s0;
	s0 =	simm.s32 @!p1 $0x0  }
0x14: {  	s2 =	sld [smem:$0x3F96];
	s0 =	simm.s32 @p1 $0x1  }
0x15: {  	[smem:$0x3FB3] =	sst s0;
	s0 =	simm.s32 @!p2 $0x0  }
0x16: {  	s3 =	sld [smem:$0x3FDB];
	s0 =	simm.s32 @p2 $0x1  }
0x17: {  	s4 =	simm.s32 $0x1BF5;
	[smem:$0x3FB5] =	sst s0  }
0x18: {  	s0 =	sld [smem:$0x3F98];
	_ =	swait.ge [sflag:s4], $0x0  }
0x19: {  	s7 =	sld [smem:$0x3F99]  }
0x1a: {  	s8 =	sadd.s32 $0xFFFFE003, lr  }
0x1b: {  	s9 =	sadd.s32 $0xFFFFFEF7, lr;
	s5 =	simm.s32 $0xFFFFFFFF;
	p2 =	slt.u32 s8, $0xFFFFF086  }
0x1c: {  	p1 =	slt.u32 s9, $0xF7A;
	s5 =	simm.s32 @!p2 $0x0  }
0x1d: {  	s5 =	simm.s32 @p1 $0x1;
	p0 =	seq.s32 s7, s2  }
0x1e: {  	s7 =	smul.u32 @!p0 $0xF7A, s2;
	p2 =	seq.s32 @!p0 s5, $0x0  }
0x1f: {  	s9 =	smul.u32 $0xF7A, s1;
	s8 =	simm.s32 @!p0 $0x1BF5;
	p2 =	por !p2, p0  }
0x20: {  	[sflag:s8] =	ssyncset.s32 @!p0 $0xFFFFF086;
	s6 =	sadd.s32 @!p0 s3, s7;
	s7 =	simm.s32 @!p0 $0x108  }
0x21: {  	s3 =	sadd.s32 s3, s9;
	s6 =	sadd.s32 @!p0 $0x88, s6;
	s7 =	simm.s32 @p2 $0x1082  }
0x22: {  	[simem:s7], [sflag:s8] =	dma.local @!p0 [hbm:s6], $0xF7A  }
0x23: {  	s9 =	sor.u32 $0xD0000000, s2;
	s6 =	simm.s32 $0x108;
	_ =	swait.ge @!p0 [sflag:s8], $0x0  }
0x24: {  	s3 =	sadd.s32 $0x88, s3;
	s6 =	simm.s32 @!p1 $0x1082;
	[sflag:s4] =	ssyncset.s32 $0xFFFFF086  }
0x25: {  	[simem:s6], [sflag:s4] =	dma.local [hbm:s3], $0xF7A  }
0x26: {  	[smem:$0x3F99] =	sst s1;
	(tag) =	ssettag s2;
	_ =	strace s9  }
0x27: {  	s1 =	sld [smem:$0x3FA9]  }
0x28: {  	s2 =	sld [smem:$0x3FAA]  }
0x29: {  	s4 =	sld [smem:$0x3FAC]  }
0x2a: {  	p0 =	seq.s32 s5, $0x0;
	s5 =	sld [smem:$0x3FAD]  }
0x2b: {  	s6 =	sld [smem:$0x3FAE]  }
0x2c: {  	s7 =	sld [smem:$0x3FAF]  }
0x2d: {  	s3 =	simm.s32 $0x108;
	s8 =	sld [smem:$0x3FB0]  }
0x2e: {  	s3 =	simm.s32 @!p0 $0x1082;
	s9 =	sld [smem:$0x3FB1]  }
0x2f: {  	lr =	sadd.s32 s0, s3;
	s0 =	sld [smem:$0x3FA8]  }
0x30: {  	s3 =	sld [smem:$0x3FAB]  }
0x31: {  	[smem:$0x3FB4] =	sst s10  }
0x32: {  	s10 =	sld [smem:$0x3FB2];
	_ =	sdelay $0x3  }
0x33: {  	p0 =	seq.s32 s10, $0x1;
	s10 =	sld [smem:$0x3FB4];
	_ =	sdelay $0x3  }
0x34: {  	[smem:$0x3FB4] =	sst s10  }
0x35: {  	s10 =	sld [smem:$0x3FB3];
	_ =	sdelay $0x3  }
0x36: {  	p1 =	seq.s32 s10, $0x1;
	s10 =	sld [smem:$0x3FB4];
	_ =	sdelay $0x3  }
0x37: {  	[smem:$0x3FB4] =	sst s10  }
0x38: {  	s10 =	sld [smem:$0x3FB5]  }
0x39: {  	_ = 	snop;
	(pc) =	sbr.ind lr, $3  }
0x3a: {  	_ = 	snop  }
0x3b: {  	_ = 	snop  }
0x3c: {  	p2 =	seq.s32 s10, $0x1;
	s10 =	sld [smem:$0x3FB4]  }
0x3d: {  	_ =	shalt  }
0x3e: {  	_ =	shalt  }
0x3f: {  	_ =	shalt  }
0x40: {  	_ =	shalt  }
0x41: {  	_ =	shalt  }
0x42: {  	_ =	shalt  }
0x43: {  	_ =	shalt  }
0x44: {  	_ =	shalt  }
0x45: {  	_ =	shalt  }
0x46: {  	_ =	shalt  }
0x47: {  	_ =	shalt  }
0x48: {  	_ =	shalt  }
0x49: {  	_ =	shalt  }
0x4a: {  	_ =	shalt  }
0x4b: {  	_ =	shalt  }
0x4c: {  	_ =	shalt  }
0x4d: {  	_ =	shalt  }
0x4e: {  	_ =	shalt  }
0x4f: {  	_ =	shalt  }
0x50: {  	_ =	shalt  }
0x51: {  	_ =	shalt  }
0x52: {  	_ =	shalt  }
0x53: {  	_ =	shalt  }
0x54: {  	_ =	shalt  }
0x55: {  	_ =	shalt  }
0x56: {  	_ =	shalt  }
0x57: {  	_ =	shalt  }
0x58: {  	_ =	shalt  }
0x59: {  	_ =	shalt  }
0x5a: {  	_ =	shalt  }
0x5b: {  	_ =	shalt  }
0x5c: {  	_ =	shalt  }
0x5d: {  	_ =	shalt  }
0x5e: {  	_ =	shalt  }
0x5f: {  	_ =	shalt  }
0x60: {  	_ =	shalt  }
0x61: {  	_ =	shalt  }
0x62: {  	_ =	shalt  }
0x63: {  	_ =	shalt  }
0x64: {  	_ =	shalt  }
0x65: {  	_ =	shalt  }
0x66: {  	_ =	shalt  }
0x67: {  	_ =	shalt  }
0x68: {  	_ =	shalt  }
0x69: {  	_ =	shalt  }
0x6a: {  	_ =	shalt  }
0x6b: {  	_ =	shalt  }
0x6c: {  	_ =	shalt  }
0x6d: {  	_ =	shalt  }
0x6e: {  	_ =	shalt  }
0x6f: {  	_ =	shalt  }
0x70: {  	_ =	shalt  }
0x71: {  	_ =	shalt  }
0x72: {  	_ =	shalt  }
0x73: {  	_ =	shalt  }
0x74: {  	_ =	shalt  }
0x75: {  	_ =	shalt  }
0x76: {  	_ =	shalt  }
0x77: {  	_ =	shalt  }
0x78: {  	_ =	shalt  }
0x79: {  	_ =	shalt  }
0x7a: {  	_ =	shalt  }
0x7b: {  	_ =	shalt  }
0x7c: {  	_ =	shalt  }
0x7d: {  	_ =	shalt  }
0x7e: {  	_ =	shalt  }
0x7f: {  	_ =	shalt  }
0x80: {  	_ =	shalt  }
0x81: {  	_ =	shalt  }
0x82: {  	_ =	shalt  }
0x83: {  	_ =	shalt  }
0x84: {  	_ =	shalt  }
0x85: {  	_ =	shalt  }
0x86: {  	_ =	shalt  }
0x87: {  	_ =	shalt  }
.Lfunc_end0:
.L_simem_size_0:
called_computation_lowered:
.L_overlay_start_0:
0x88: {  	s2 =	sld [smem:$0x3FD9]  }
0x89: {  	s3 =	sld [smem:$0x3FFE];
	_ =	sdelay $0x1  }
0x8a: {  	s1 =	srdreg.scid  }
0x8b: {  	s0 =	sand.u32 $0x1, s1  }
0x8c: {  	s18 =	sshll.u32 s0, $0xA;
	s2 =	sadd.s32 s3, s2  }
0x8d: {  	s2 =	sadd.s32 s2, s18  }
0x8e: {  	[smem:$0x3FC0] =	sst s2  }
0x8f: {  	_ = 	snop  }
0x90: {  	s2 =	sld [smem:$0x3FC9]  }
0x91: {  	s19 =	sld [smem:$0x3FC8]  }
0x92: {  	s4 =	sld [smem:$0x3FD0];
	(tm) =	ssettm $0x1  }
0x93: {  	s5 =	sld [smem:$0x3FFB];
	_ =	sdelay $0x3  }
0x94: {  	_ =	strace s5  }
0x95: {  	s5 =	sld [smem:$0x3FFC];
	_ =	sdelay $0x3  }
0x96: {  	_ =	strace s5  }
0x97: {  	s5 =	sld [smem:$0x3FFD];
	_ =	sdelay $0x3  }
0x98: {  	_ =	strace s5  }
0x99: {  	_ =	strace $0x8FFFFFFF  }
0x9a: {  	s20 =	sld [smem:$0x3FDB];
	_ =	sdelay $0x1  }
0x9b: {  	s6 =	simm.s32 $_scs_section_size  }
0x9c: {  	s7 =	simm.s32 $_size__tile_overlayer_lowered;
	s8 =	simm.s32 $_tile_overlayer_lowered  }
0x9d: {  	s23 =	simm.s32 $0x1BFF;
	s22 =	sshll.u32 s8, $0x1;
	s5 =	sadd.s32 s6, s20  }
0x9e: {  	s9 =	simm.s32 $0x0;
	s21 =	sshll.u32 s7, $0x1;
	s7 =	sadd.s32 s22, s5  }
0x9f: {  	[timem:s9], [sflag:s23] =	dma.local [hbm:s7], s21  }
0xa0: {  	_ =	swait.ge [sflag:s23], s21  }
0xa1: {  	s6 =	ssub.s32 $0x0, s21;
	[sflag:s23] =	ssyncset.done $0x0  }
0xa2: {  	[sflag:s23] =	ssyncadd.s32 s6;
	_ =	sdelay $0x1  }
0xa3: {  	s24 =	simm.s32 $0x1B8B  }
0xa4: {  	_ =	swait.ge [sflag:s24], $0x1  }
0xa5: {  	[sflag:s24] =	ssyncset.done $0x0  }
0xa6: {  	s25 =	simm.s32 $0x1B8E;
	[sflag:s24] =	ssyncadd.s32 $0xFFFFFFFF  }
0xa7: {  	s26 =	simm.s32 $execute0_lowered;
	[smem:$0x3FD2] =	sst s25  }
0xa8: {  	s6 =	sshll.u32 s26, $0x1;
	_ =	strace $0x80000046;
	[dreg:$0x1] =	wrdreg $0xFFFFFFFF  }
0xa9: {  	s28 =	simm.s32 $_size_execute0_lowered;
	s5 =	sadd.s32 s5, s6;
	[dreg:$0x0] =	wrdreg $0x0  }
0xaa: {  	s6 =	sshll.u32 s28, $0x1;
	[dreg:$0x2] =	wrdreg s5  }
0xab: {  	[dreg:$0x3] =	wrdreg s6  }
0xac: {  	[dreg:$0x4] =	wrdreg $0xC0  }
0xad: {  	_ =	task [dreg:s9], $0x5FFFF  }
0xae: {  	[dreg:$0x1] =	wrdreg $0xFFFFFFFF  }
0xaf: {  	[dreg:$0x0] =	wrdreg $0x60  }
0xb0: {  	[dreg:$0x2] =	wrdreg s19  }
0xb1: {  	[dreg:$0x3] =	wrdreg s2  }
0xb2: {  	[dreg:$0x4] =	wrdreg s4  }
0xb3: {  	[dreg:$0x5] =	wrdreg $0x9  }
0xb4: {  	_ =	task.clear_ibuf [dreg:s9], $0x6FFFF;
	_ =	strace $0x90000046  }
0xb5: {  	s29 =	simm.s32 $0x9;
	_ =	strace $0x80000048  }
0xb6: {  	_ =	swait.ge [sflag:s29], $0x1  }
0xb7: {  	[sflag:s29] =	ssyncadd.s32 $0xFFFFFFFF  }
0xb8: {  	_ =	strace $0x90000048  }
0xb9: {  	_ =	sfence  }
0xba: {  	s30 =	sld [smem:$0x0];
	_ =	sdelay $0x2  }
0xbb: {  	s31 =	sshll.u32 s1, $0xD;
	s1 =	sshrl.u32 s1, $0x2  }
0xbc: {  	s3 =	sand.u32 $0x4000, s31;
	s1 =	sadd.s32 s1, s30  }
0xbd: {  	s0 =	sor.u32 s3, s0;
	s1 =	sshll.u32 s1, $0x11  }
0xbe: {  	s0 =	sor.u32 s1, s0  }
0xbf: {  	s0 =	sadd.s32 $0x8F2B, s0  }
0xc0: {  	[sflag:s0] =	ssyncadd.remote.s32 $0x1  }
0xc1: {  	_ =	sfence.sel $0xFFFF  }
0xc2: {  	[dreg:$0x0] =	wrdreg $0xFFFFFFFF;
	(pc) =	sbr.abs _section_cstart, $3  }
0xc3: {  	[dreg:$0x1] =	wrdreg $0xFFFFFFFF  }
0xc4: {  	_ =	task.clear_ibuf [dreg:s9], $0x2FFFF;
	_ =	strace $0x9FFFFFFF  }
0xc5: {  	(tm) =	ssettm $0x7FFFFFFF  }
tec
execute0_lowered:
.L_overlay_start_1:
0x0: {  	(tag) =	ssettag $0x1  }
0x1: {  	s5 =	rddreg [dreg:$0x0]  }
0x2: {  	s1 =	rddreg [dreg:$0x1]  }
0x3: {  	s4 =	rddreg [dreg:$0x2]  }
0x4: {  	s0 =	rddreg [dreg:$0x3]  }
0x5: {  	s3 =	simm.s32 $0x0;
	s6 =	srdreg.scid;
	s2 =	stileid.u32  }
0x6: {  	s11 =	simm.s32 $0x400;
	s12 =	simm.s32 $0x18700;
	s13 =	simm.s32 $0x3  }
0x7: {  	s14 =	simm.s32 $0x1;
	s15 =	simm.s32 $0x2;
	s16 =	simm.s32 $0x0  }
0x8: {  	[smem:$0x7FF] =	sst s3;
	s6 =	sand.u32 $0x1, s6;
	s7 =	sshll.u32 s2, $0x8  }
0x9: {  	s8 =	sshrl.u32 s2, $0x2;
	s9 =	sshll.u32 s6, $0x7;
	s7 =	sand.u32 $0x300, s7  }
0xa: {  	s29 =	smul.u32 $0xC3800, s8;
	s8 =	sshll.u32 s8, $0x11;
	s6 =	ssub.s32 $0x2, s6  }
0xb: {  	_ =	strace $0x80000047;
	s7 =	sor.u32 s9, s7;
	s10 =	sshrl.u32 s6, $0x1  }
0xc: {  	s8 =	sor.u32 s8, s7;
	s7 =	sor.u32 s29, s7;
	s30 =	ssub.s32 s6, s10  }
0xd: {  	s10 =	simm.s32 $0x80;
	s8 =	sshrl.u32 s8, $0x3;
	s31 =	sshrl.u32 s7, $0x3  }
0xe: {  	s9 =	smax.u32 s30, $0x1;
	s4 =	sadd.s32 s4, s8;
	s5 =	sadd.s32 s5, s31  }
0xf: {  	s6 =	sadd.s32 $0x1000, s4;
	s7 =	sadd.s32 $0x2000, s4;
	s8 =	sadd.s32 $0x3000, s4  }
.LBB2_1:
0x10: {  	[tilespmem:s3], [sflag:$0x1] =	stream.strided.gather [hbm4b:s5+s10], $0x18700, s11, s10, $0x38;
	[tilespmem:$0x1E700] =	vst v63  }
0x11: {  	_ = 	snop  }
0x12: {  	[tilespmem:s12], [sflag:$0x3] =	stream.linear.gather [hbm4b:s1+s3], $0x4000, $0x38;
	[tilespmem:$0x1E700] =	vst v63  }
0x13: {  	_ =	swait.ge [sflag:s13], $0x4000  }
0x14: {  	[sflag:s13] =	ssyncset.done $0x0  }
0x15: {  	[sflag:s13] =	ssyncadd.s32 $0xFFFFC000  }
0x16: {  	_ =	swait.ge [sflag:s14], $0x18700  }
0x17: {  	[sflag:s14] =	ssyncset.done $0x0  }
0x18: {  	s17 =	simm.s32 $0x18780;
	[sflag:s14] =	ssyncadd.s32 $0xFFFE7900  }
0x19: {  	v0 =	vld [tilespmem:s17+$0x70]  }
0x1a: {  	v1 =	vld [tilespmem:s17+$0xFFFFFF90]  }
0x1b: {  	v2 =	vld [tilespmem:s17+$0xFFFFFFA0]  }
0x1c: {  	v3 =	vld [tilespmem:s17+$0xFFFFFFB0]  }
0x1d: {  	v4 =	vld [tilespmem:s17+$0xFFFFFFC0]  }
0x1e: {  	v5 =	vld [tilespmem:s17+$0xFFFFFFD0]  }
0x1f: {  	v6 =	vld [tilespmem:s17+$0xFFFFFFE0]  }
0x20: {  	v7 =	vld [tilespmem:s17+$0xFFFFFFF0]  }
0x21: {  	v8 =	vld [tilespmem:s17+$0x0]  }
0x22: {  	v9 =	vld [tilespmem:s17+$0x10]  }
0x23: {  	v10 =	vld [tilespmem:s17+$0x20]  }
0x24: {  	v11 =	vld [tilespmem:s17+$0x30]  }
0x25: {  	v12 =	vld [tilespmem:s17+$0x40]  }
0x26: {  	v13 =	vld [tilespmem:s17+$0x50]  }
0x27: {  	v14 =	vld [tilespmem:s17+$0x60]  }
0x28: {  	v15 =	vld [tilespmem:s17+$0xFFFFFF80]  }
0x29: {  	v0 =	vld.idx.msk [tilespmem:v0+s3+$0x0], $0xffff  }
0x2a: {  	v1 =	vld.idx.msk [tilespmem:v1+s3+$0x0], $0xffff  }
0x2b: {  	v2 =	vld.idx.msk [tilespmem:v2+s3+$0x0], $0xffff  }
0x2c: {  	v3 =	vld.idx.msk [tilespmem:v3+s3+$0x0], $0xffff  }
0x2d: {  	v4 =	vld.idx.msk [tilespmem:v4+s3+$0x0], $0xffff  }
0x2e: {  	s17 =	simm.s32 $0x1C800;
	v5 =	vld.idx.msk [tilespmem:v5+s3+$0x0], $0xffff  }
0x2f: {  	v6 =	vld.idx.msk [tilespmem:v6+s3+$0x0], $0xffff;
	[tilespmem:s17+$0x70] =	vst v0  }
0x30: {  	v7 =	vld.idx.msk [tilespmem:v7+s3+$0x0], $0xffff;
	[tilespmem:s17+$0xFFFFFF10] =	vst v1  }
0x31: {  	v15 =	vld.idx.msk [tilespmem:v15+s3+$0x0], $0xffff;
	[tilespmem:s17+$0xFFFFFF20] =	vst v2  }
0x32: {  	v8 =	vld.idx.msk [tilespmem:v8+s3+$0x0], $0xffff;
	[tilespmem:s17+$0xFFFFFF30] =	vst v3  }
0x33: {  	[tilespmem:s17+$0xFFFFFF40] =	vst v4;
	v0 =	vld.idx.msk [tilespmem:v9+s3+$0x0], $0xffff  }
0x34: {  	[tilespmem:s17+$0xFFFFFF50] =	vst v5;
	v1 =	vld.idx.msk [tilespmem:v10+s3+$0x0], $0xffff  }
0x35: {  	[tilespmem:s17+$0xFFFFFF60] =	vst v6;
	v2 =	vld.idx.msk [tilespmem:v11+s3+$0x0], $0xffff  }
0x36: {  	[tilespmem:s17+$0xFFFFFF70] =	vst v7;
	v3 =	vld.idx.msk [tilespmem:v12+s3+$0x0], $0xffff  }
0x37: {  	[tilespmem:s17+$0xFFFFFF00] =	vst v15;
	v4 =	vld.idx.msk [tilespmem:v13+s3+$0x0], $0xffff  }
0x38: {  	s18 =	simm.s32 $0x0;
	s19 =	simm.s32 $0x18880;
	[tilespmem:s17+$0x0] =	vst v8;
	v5 =	vld.idx.msk [tilespmem:v14+s3+$0x0], $0xffff  }
.LBB2_2:
0x39: {  	v6 =	vld [tilespmem:s19+$0x70];
	s18 =	sadd.s32 $0x100, s18;
	[tilespmem:s17+$0x10] =	vst v0  }
0x3a: {  	v0 =	vld [tilespmem:s19+$0xFFFFFF90];
	p0 =	slt.u32 s18, $0xF00;
	[tilespmem:s17+$0x20] =	vst v1  }
0x3b: {  	v1 =	vld [tilespmem:s19+$0xFFFFFFA0];
	[tilespmem:s17+$0x30] =	vst v2  }
0x3c: {  	v2 =	vld [tilespmem:s19+$0xFFFFFFB0];
	[tilespmem:s17+$0x40] =	vst v3  }
0x3d: {  	v3 =	vld [tilespmem:s19+$0xFFFFFFC0];
	[tilespmem:s17+$0x50] =	vst v4  }
0x3e: {  	v4 =	vld [tilespmem:s19+$0xFFFFFFD0];
	[tilespmem:s17+$0x60] =	vst v5  }
0x3f: {  	v5 =	vld [tilespmem:s19+$0xFFFFFFE0]  }
0x40: {  	v7 =	vld [tilespmem:s19+$0xFFFFFFF0]  }
0x41: {  	v6 =	vld.idx.msk [tilespmem:v6+s3+$0x0], $0xffff  }
0x42: {  	v8 =	vld [tilespmem:s19+$0x0]  }
0x43: {  	v9 =	vld [tilespmem:s19+$0x10]  }
0x44: {  	v10 =	vld [tilespmem:s19+$0x20]  }
0x45: {  	v11 =	vld [tilespmem:s19+$0x30]  }
0x46: {  	s17 =	sadd.s32 $0x200, s17;
	v12 =	vld [tilespmem:s19+$0x40]  }
0x47: {  	v13 =	vld [tilespmem:s19+$0x50];
	[tilespmem:s17+$0x70] =	vst v6  }
0x48: {  	v6 =	vld [tilespmem:s19+$0x60]  }
0x49: {  	v14 =	vld [tilespmem:s19+$0xFFFFFF80]  }
0x4a: {  	v0 =	vld.idx.msk [tilespmem:v0+s3+$0x0], $0xffff  }
0x4b: {  	v1 =	vld.idx.msk [tilespmem:v1+s3+$0x0], $0xffff  }
0x4c: {  	v2 =	vld.idx.msk [tilespmem:v2+s3+$0x0], $0xffff  }
0x4d: {  	v3 =	vld.idx.msk [tilespmem:v3+s3+$0x0], $0xffff  }
0x4e: {  	v4 =	vld.idx.msk [tilespmem:v4+s3+$0x0], $0xffff  }
0x4f: {  	v5 =	vld.idx.msk [tilespmem:v5+s3+$0x0], $0xffff  }
0x50: {  	[tilespmem:s17+$0xFFFFFF10] =	vst v0;
	v7 =	vld.idx.msk [tilespmem:v7+s3+$0x0], $0xffff  }
0x51: {  	v14 =	vld.idx.msk [tilespmem:v14+s3+$0x0], $0xffff;
	[tilespmem:s17+$0xFFFFFF20] =	vst v1  }
0x52: {  	[tilespmem:s17+$0xFFFFFF30] =	vst v2;
	v8 =	vld.idx.msk [tilespmem:v8+s3+$0x0], $0xffff  }
0x53: {  	[tilespmem:s17+$0xFFFFFF40] =	vst v3;
	v0 =	vld.idx.msk [tilespmem:v9+s3+$0x0], $0xffff  }
.Ltmp0:
0x54: {  	[tilespmem:s17+$0xFFFFFF50] =	vst v4;
	v1 =	vld.idx.msk [tilespmem:v10+s3+$0x0], $0xffff;
	(pc) =	sbr.rel @p0 .LBB2_2-.Ltmp0, $4  }
0x55: {  	[tilespmem:s17+$0xFFFFFF60] =	vst v5;
	v2 =	vld.idx.msk [tilespmem:v11+s3+$0x0], $0xffff  }
0x56: {  	[tilespmem:s17+$0xFFFFFF70] =	vst v7;
	v3 =	vld.idx.msk [tilespmem:v12+s3+$0x0], $0xffff  }
0x57: {  	[tilespmem:s17+$0xFFFFFF00] =	vst v14;
	v4 =	vld.idx.msk [tilespmem:v13+s3+$0x0], $0xffff  }
0x58: {  	s19 =	sadd.s32 $0x100, s19;
	[tilespmem:s17+$0x0] =	vst v8;
	v5 =	vld.idx.msk [tilespmem:v6+s3+$0x0], $0xffff  }
0x59: {  	[tilespmem:s17+$0x10] =	vst v0  }
0x5a: {  	[tilespmem:s17+$0x20] =	vst v1  }
0x5b: {  	[tilespmem:s17+$0x30] =	vst v2  }
0x5c: {  	[tilespmem:s17+$0x40] =	vst v3  }
0x5d: {  	[tilespmem:s17+$0x50] =	vst v4  }
0x5e: {  	s18 =	simm.s32 $0x1C700;
	[tilespmem:s17+$0x60] =	vst v5;
	s17 =	simm.s32 $0x0  }
.LBB2_4:
0x5f: {  	p0 =	sne.s32 s17, $0xF80  }
.Ltmp1:
0x60: {  	_ = 	snop;
	(pc) =	sbr.rel @p0 .LBB2_4-.Ltmp1, $4  }
0x61: {  	_ = 	snop  }
0x62: {  	s19 =	sadd.s32 s17, s4  }
0x63: {  	[hbm4b:s19+s3] =	stream.linear.scatter [tilespmem:s18], [sflag:$0x2], $0x80, $0x38;
	[tilespmem:$0x1E700] =	vst v63  }
0x64: {  	s17 =	sadd.s32 $0x80, s17;
	s18 =	sadd.s32 $0x100, s18  }
0x65: {  	s17 =	simm.s32 $0x197F0  }
0x66: {  	v0 =	vld [tilespmem:s17+$0x0]  }
0x67: {  	v1 =	vld [tilespmem:s17+$0xFFFFFF20]  }
0x68: {  	v2 =	vld [tilespmem:s17+$0xFFFFFF30]  }
0x69: {  	v3 =	vld [tilespmem:s17+$0xFFFFFF40]  }
0x6a: {  	v4 =	vld [tilespmem:s17+$0xFFFFFF50]  }
0x6b: {  	v5 =	vld [tilespmem:s17+$0xFFFFFF60]  }
0x6c: {  	v6 =	vld [tilespmem:s17+$0xFFFFFF70]  }
0x6d: {  	v7 =	vld [tilespmem:s17+$0xFFFFFF80]  }
0x6e: {  	v8 =	vld [tilespmem:s17+$0xFFFFFF90]  }
0x6f: {  	v9 =	vld [tilespmem:s17+$0xFFFFFFA0]  }
0x70: {  	v10 =	vld [tilespmem:s17+$0xFFFFFFB0]  }
0x71: {  	v11 =	vld [tilespmem:s17+$0xFFFFFFC0]  }
0x72: {  	v12 =	vld [tilespmem:s17+$0xFFFFFFD0]  }
0x73: {  	v13 =	vld [tilespmem:s17+$0xFFFFFFE0]  }
0x74: {  	v14 =	vld [tilespmem:s17+$0xFFFFFFF0]  }
0x75: {  	v15 =	vld [tilespmem:s17+$0xFFFFFF10]  }
0x76: {  	v0 =	vld.idx.msk [tilespmem:v0+s3+$0x0], $0xffff  }
0x77: {  	v1 =	vld.idx.msk [tilespmem:v1+s3+$0x0], $0xffff  }
0x78: {  	v2 =	vld.idx.msk [tilespmem:v2+s3+$0x0], $0xffff  }
0x79: {  	v3 =	vld.idx.msk [tilespmem:v3+s3+$0x0], $0xffff  }
0x7a: {  	v4 =	vld.idx.msk [tilespmem:v4+s3+$0x0], $0xffff  }
0x7b: {  	s17 =	simm.s32 $0x1C880;
	v5 =	vld.idx.msk [tilespmem:v5+s3+$0x0], $0xffff  }
0x7c: {  	v6 =	vld.idx.msk [tilespmem:v6+s3+$0x0], $0xffff;
	[tilespmem:s17+$0x70] =	vst v0  }
0x7d: {  	v7 =	vld.idx.msk [tilespmem:v7+s3+$0x0], $0xffff;
	[tilespmem:s17+$0xFFFFFF10] =	vst v1  }
0x7e: {  	v15 =	vld.idx.msk [tilespmem:v15+s3+$0x0], $0xffff;
	[tilespmem:s17+$0xFFFFFF20] =	vst v2  }
0x7f: {  	v8 =	vld.idx.msk [tilespmem:v8+s3+$0x0], $0xffff;
	[tilespmem:s17+$0xFFFFFF30] =	vst v3  }
0x80: {  	[tilespmem:s17+$0xFFFFFF40] =	vst v4;
	v0 =	vld.idx.msk [tilespmem:v9+s3+$0x0], $0xffff  }
0x81: {  	[tilespmem:s17+$0xFFFFFF50] =	vst v5;
	v1 =	vld.idx.msk [tilespmem:v10+s3+$0x0], $0xffff  }
0x82: {  	[tilespmem:s17+$0xFFFFFF60] =	vst v6;
	v2 =	vld.idx.msk [tilespmem:v11+s3+$0x0], $0xffff  }
0x83: {  	[tilespmem:s17+$0xFFFFFF70] =	vst v7;
	v3 =	vld.idx.msk [tilespmem:v12+s3+$0x0], $0xffff  }
0x84: {  	[tilespmem:s17+$0xFFFFFF00] =	vst v15;
	v4 =	vld.idx.msk [tilespmem:v13+s3+$0x0], $0xffff  }
0x85: {  	s18 =	simm.s32 $0x0;
	s19 =	simm.s32 $0x198F0;
	[tilespmem:s17+$0x0] =	vst v8;
	v5 =	vld.idx.msk [tilespmem:v14+s3+$0x0], $0xffff  }
.LBB2_6:
0x86: {  	v6 =	vld [tilespmem:s19+$0x0];
	s18 =	sadd.s32 $0x100, s18;
	[tilespmem:s17+$0x10] =	vst v0  }
0x87: {  	v0 =	vld [tilespmem:s19+$0xFFFFFF20];
	p0 =	slt.u32 s18, $0xF00;
	[tilespmem:s17+$0x20] =	vst v1  }
0x88: {  	v1 =	vld [tilespmem:s19+$0xFFFFFF30];
	[tilespmem:s17+$0x30] =	vst v2  }
0x89: {  	v2 =	vld [tilespmem:s19+$0xFFFFFF40];
	[tilespmem:s17+$0x40] =	vst v3  }
0x8a: {  	v3 =	vld [tilespmem:s19+$0xFFFFFF50];
	[tilespmem:s17+$0x50] =	vst v4  }
0x8b: {  	v4 =	vld [tilespmem:s19+$0xFFFFFF60];
	[tilespmem:s17+$0x60] =	vst v5  }
0x8c: {  	v5 =	vld [tilespmem:s19+$0xFFFFFF70]  }
0x8d: {  	v7 =	vld [tilespmem:s19+$0xFFFFFF80]  }
0x8e: {  	v6 =	vld.idx.msk [tilespmem:v6+s3+$0x0], $0xffff  }
0x8f: {  	v8 =	vld [tilespmem:s19+$0xFFFFFF90]  }
0x90: {  	v9 =	vld [tilespmem:s19+$0xFFFFFFA0]  }
0x91: {  	v10 =	vld [tilespmem:s19+$0xFFFFFFB0]  }
0x92: {  	v11 =	vld [tilespmem:s19+$0xFFFFFFC0]  }
0x93: {  	s17 =	sadd.s32 $0x200, s17;
	v12 =	vld [tilespmem:s19+$0xFFFFFFD0]  }
0x94: {  	v13 =	vld [tilespmem:s19+$0xFFFFFFE0];
	[tilespmem:s17+$0x70] =	vst v6  }
0x95: {  	v6 =	vld [tilespmem:s19+$0xFFFFFFF0]  }
0x96: {  	v14 =	vld [tilespmem:s19+$0xFFFFFF10]  }
0x97: {  	v0 =	vld.idx.msk [tilespmem:v0+s3+$0x0], $0xffff  }
0x98: {  	v1 =	vld.idx.msk [tilespmem:v1+s3+$0x0], $0xffff  }
0x99: {  	v2 =	vld.idx.msk [tilespmem:v2+s3+$0x0], $0xffff  }
0x9a: {  	v3 =	vld.idx.msk [tilespmem:v3+s3+$0x0], $0xffff  }
0x9b: {  	v4 =	vld.idx.msk [tilespmem:v4+s3+$0x0], $0xffff  }
0x9c: {  	v5 =	vld.idx.msk [tilespmem:v5+s3+$0x0], $0xffff  }
0x9d: {  	[tilespmem:s17+$0xFFFFFF10] =	vst v0;
	v7 =	vld.idx.msk [tilespmem:v7+s3+$0x0], $0xffff  }
0x9e: {  	v14 =	vld.idx.msk [tilespmem:v14+s3+$0x0], $0xffff;
	[tilespmem:s17+$0xFFFFFF20] =	vst v1  }
0x9f: {  	[tilespmem:s17+$0xFFFFFF30] =	vst v2;
	v8 =	vld.idx.msk [tilespmem:v8+s3+$0x0], $0xffff  }
0xa0: {  	[tilespmem:s17+$0xFFFFFF40] =	vst v3;
	v0 =	vld.idx.msk [tilespmem:v9+s3+$0x0], $0xffff  }
.Ltmp2:
0xa1: {  	[tilespmem:s17+$0xFFFFFF50] =	vst v4;
	v1 =	vld.idx.msk [tilespmem:v10+s3+$0x0], $0xffff;
	(pc) =	sbr.rel @p0 .LBB2_6-.Ltmp2, $4  }
0xa2: {  	[tilespmem:s17+$0xFFFFFF60] =	vst v5;
	v2 =	vld.idx.msk [tilespmem:v11+s3+$0x0], $0xffff  }
0xa3: {  	[tilespmem:s17+$0xFFFFFF70] =	vst v7;
	v3 =	vld.idx.msk [tilespmem:v12+s3+$0x0], $0xffff  }
0xa4: {  	[tilespmem:s17+$0xFFFFFF00] =	vst v14;
	v4 =	vld.idx.msk [tilespmem:v13+s3+$0x0], $0xffff  }
0xa5: {  	s19 =	sadd.s32 $0x100, s19;
	[tilespmem:s17+$0x0] =	vst v8;
	v5 =	vld.idx.msk [tilespmem:v6+s3+$0x0], $0xffff  }
0xa6: {  	[tilespmem:s17+$0x10] =	vst v0  }
0xa7: {  	[tilespmem:s17+$0x20] =	vst v1  }
0xa8: {  	[tilespmem:s17+$0x30] =	vst v2  }
0xa9: {  	[tilespmem:s17+$0x40] =	vst v3  }
0xaa: {  	s18 =	simm.s32 $0x1C780;
	[tilespmem:s17+$0x50] =	vst v4  }
0xab: {  	s20 =	sadd.s32 $0x0, s6;
	s19 =	simm.s32 $0x1C880;
	[tilespmem:s17+$0x60] =	vst v5;
	s17 =	simm.s32 $0x80  }
.LBB2_8:
0xac: {  	[hbm4b:s20+s3] =	stream.linear.scatter [tilespmem:s18], [sflag:$0x2], $0x80, $0x38;
	[tilespmem:$0x1E700] =	vst v63  }
0xad: {  	s20 =	smov.u32 s17;
	s18 =	smov.u32 s19;
	p0 =	sne.s32 s17, $0xF80  }
.Ltmp3:
0xae: {  	s17 =	sadd.s32 $0x80, s17;
	(pc) =	sbr.rel @p0 .LBB2_8-.Ltmp3, $2  }
0xaf: {  	_ =	sdelay $0x2  }
0xb0: {  	s19 =	sadd.s32 $0x100, s19;
	s20 =	sadd.s32 s20, s6  }
0xb1: {  	[hbm4b:s20+s3] =	stream.linear.scatter [tilespmem:s18], [sflag:$0x2], $0x80, $0x38;
	[tilespmem:$0x1E700] =	vst v63  }
0xb2: {  	_ =	swait.ge [sflag:s15], $0x1000  }
0xb3: {  	[sflag:s15] =	ssyncset.done $0x0  }
0xb4: {  	s17 =	simm.s32 $0x1A7F0;
	[sflag:s15] =	ssyncadd.s32 $0xFFFFF000  }
0xb5: {  	v0 =	vld [tilespmem:s17+$0x0]  }
0xb6: {  	v1 =	vld [tilespmem:s17+$0xFFFFFF20]  }
0xb7: {  	v2 =	vld [tilespmem:s17+$0xFFFFFF30]  }
0xb8: {  	v3 =	vld [tilespmem:s17+$0xFFFFFF40]  }
0xb9: {  	v4 =	vld [tilespmem:s17+$0xFFFFFF50]  }
0xba: {  	v5 =	vld [tilespmem:s17+$0xFFFFFF60]  }
0xbb: {  	v6 =	vld [tilespmem:s17+$0xFFFFFF70]  }
0xbc: {  	v7 =	vld [tilespmem:s17+$0xFFFFFF80]  }
0xbd: {  	v8 =	vld [tilespmem:s17+$0xFFFFFF90]  }
0xbe: {  	v9 =	vld [tilespmem:s17+$0xFFFFFFA0]  }
0xbf: {  	v10 =	vld [tilespmem:s17+$0xFFFFFFB0]  }
0xc0: {  	v11 =	vld [tilespmem:s17+$0xFFFFFFC0]  }
0xc1: {  	v12 =	vld [tilespmem:s17+$0xFFFFFFD0]  }
0xc2: {  	v13 =	vld [tilespmem:s17+$0xFFFFFFE0]  }
0xc3: {  	v14 =	vld [tilespmem:s17+$0xFFFFFFF0]  }
0xc4: {  	v15 =	vld [tilespmem:s17+$0xFFFFFF10]  }
0xc5: {  	v0 =	vld.idx.msk [tilespmem:v0+s3+$0x0], $0xffff  }
0xc6: {  	v1 =	vld.idx.msk [tilespmem:v1+s3+$0x0], $0xffff  }
0xc7: {  	v2 =	vld.idx.msk [tilespmem:v2+s3+$0x0], $0xffff  }
0xc8: {  	v3 =	vld.idx.msk [tilespmem:v3+s3+$0x0], $0xffff  }
0xc9: {  	v4 =	vld.idx.msk [tilespmem:v4+s3+$0x0], $0xffff  }
0xca: {  	s17 =	simm.s32 $0x1C800;
	v5 =	vld.idx.msk [tilespmem:v5+s3+$0x0], $0xffff  }
0xcb: {  	v6 =	vld.idx.msk [tilespmem:v6+s3+$0x0], $0xffff;
	[tilespmem:s17+$0x70] =	vst v0  }
0xcc: {  	v7 =	vld.idx.msk [tilespmem:v7+s3+$0x0], $0xffff;
	[tilespmem:s17+$0xFFFFFF10] =	vst v1  }
0xcd: {  	v15 =	vld.idx.msk [tilespmem:v15+s3+$0x0], $0xffff;
	[tilespmem:s17+$0xFFFFFF20] =	vst v2  }
0xce: {  	v8 =	vld.idx.msk [tilespmem:v8+s3+$0x0], $0xffff;
	[tilespmem:s17+$0xFFFFFF30] =	vst v3  }
0xcf: {  	[tilespmem:s17+$0xFFFFFF40] =	vst v4;
	v0 =	vld.idx.msk [tilespmem:v9+s3+$0x0], $0xffff  }
0xd0: {  	[tilespmem:s17+$0xFFFFFF50] =	vst v5;
	v1 =	vld.idx.msk [tilespmem:v10+s3+$0x0], $0xffff  }
0xd1: {  	[tilespmem:s17+$0xFFFFFF60] =	vst v6;
	v2 =	vld.idx.msk [tilespmem:v11+s3+$0x0], $0xffff  }
0xd2: {  	[tilespmem:s17+$0xFFFFFF70] =	vst v7;
	v3 =	vld.idx.msk [tilespmem:v12+s3+$0x0], $0xffff  }
0xd3: {  	[tilespmem:s17+$0xFFFFFF00] =	vst v15;
	v4 =	vld.idx.msk [tilespmem:v13+s3+$0x0], $0xffff  }
0xd4: {  	s18 =	simm.s32 $0x0;
	s19 =	simm.s32 $0x1A8F0;
	[tilespmem:s17+$0x0] =	vst v8;
	v5 =	vld.idx.msk [tilespmem:v14+s3+$0x0], $0xffff  }
.LBB2_10:
0xd5: {  	v6 =	vld [tilespmem:s19+$0x0];
	s18 =	sadd.s32 $0x100, s18;
	[tilespmem:s17+$0x10] =	vst v0  }
0xd6: {  	v0 =	vld [tilespmem:s19+$0xFFFFFF20];
	p0 =	slt.u32 s18, $0xF00;
	[tilespmem:s17+$0x20] =	vst v1  }
0xd7: {  	v1 =	vld [tilespmem:s19+$0xFFFFFF30];
	[tilespmem:s17+$0x30] =	vst v2  }
0xd8: {  	v2 =	vld [tilespmem:s19+$0xFFFFFF40];
	[tilespmem:s17+$0x40] =	vst v3  }
0xd9: {  	v3 =	vld [tilespmem:s19+$0xFFFFFF50];
	[tilespmem:s17+$0x50] =	vst v4  }
0xda: {  	v4 =	vld [tilespmem:s19+$0xFFFFFF60];
	[tilespmem:s17+$0x60] =	vst v5  }
0xdb: {  	v5 =	vld [tilespmem:s19+$0xFFFFFF70]  }
0xdc: {  	v7 =	vld [tilespmem:s19+$0xFFFFFF80]  }
0xdd: {  	v6 =	vld.idx.msk [tilespmem:v6+s3+$0x0], $0xffff  }
0xde: {  	v8 =	vld [tilespmem:s19+$0xFFFFFF90]  }
0xdf: {  	v9 =	vld [tilespmem:s19+$0xFFFFFFA0]  }
0xe0: {  	v10 =	vld [tilespmem:s19+$0xFFFFFFB0]  }
0xe1: {  	v11 =	vld [tilespmem:s19+$0xFFFFFFC0]  }
0xe2: {  	s17 =	sadd.s32 $0x200, s17;
	v12 =	vld [tilespmem:s19+$0xFFFFFFD0]  }
0xe3: {  	v13 =	vld [tilespmem:s19+$0xFFFFFFE0];
	[tilespmem:s17+$0x70] =	vst v6  }
0xe4: {  	v6 =	vld [tilespmem:s19+$0xFFFFFFF0]  }
0xe5: {  	v14 =	vld [tilespmem:s19+$0xFFFFFF10]  }
0xe6: {  	v0 =	vld.idx.msk [tilespmem:v0+s3+$0x0], $0xffff  }
0xe7: {  	v1 =	vld.idx.msk [tilespmem:v1+s3+$0x0], $0xffff  }
0xe8: {  	v2 =	vld.idx.msk [tilespmem:v2+s3+$0x0], $0xffff  }
0xe9: {  	v3 =	vld.idx.msk [tilespmem:v3+s3+$0x0], $0xffff  }
0xea: {  	v4 =	vld.idx.msk [tilespmem:v4+s3+$0x0], $0xffff  }
0xeb: {  	v5 =	vld.idx.msk [tilespmem:v5+s3+$0x0], $0xffff  }
0xec: {  	[tilespmem:s17+$0xFFFFFF10] =	vst v0;
	v7 =	vld.idx.msk [tilespmem:v7+s3+$0x0], $0xffff  }
0xed: {  	v14 =	vld.idx.msk [tilespmem:v14+s3+$0x0], $0xffff;
	[tilespmem:s17+$0xFFFFFF20] =	vst v1  }
0xee: {  	[tilespmem:s17+$0xFFFFFF30] =	vst v2;
	v8 =	vld.idx.msk [tilespmem:v8+s3+$0x0], $0xffff  }
0xef: {  	[tilespmem:s17+$0xFFFFFF40] =	vst v3;
	v0 =	vld.idx.msk [tilespmem:v9+s3+$0x0], $0xffff  }
.Ltmp4:
0xf0: {  	[tilespmem:s17+$0xFFFFFF50] =	vst v4;
	v1 =	vld.idx.msk [tilespmem:v10+s3+$0x0], $0xffff;
	(pc) =	sbr.rel @p0 .LBB2_10-.Ltmp4, $4  }
0xf1: {  	[tilespmem:s17+$0xFFFFFF60] =	vst v5;
	v2 =	vld.idx.msk [tilespmem:v11+s3+$0x0], $0xffff  }
0xf2: {  	[tilespmem:s17+$0xFFFFFF70] =	vst v7;
	v3 =	vld.idx.msk [tilespmem:v12+s3+$0x0], $0xffff  }
0xf3: {  	[tilespmem:s17+$0xFFFFFF00] =	vst v14;
	v4 =	vld.idx.msk [tilespmem:v13+s3+$0x0], $0xffff  }
0xf4: {  	s19 =	sadd.s32 $0x100, s19;
	[tilespmem:s17+$0x0] =	vst v8;
	v5 =	vld.idx.msk [tilespmem:v6+s3+$0x0], $0xffff  }
0xf5: {  	[tilespmem:s17+$0x10] =	vst v0  }
0xf6: {  	[tilespmem:s17+$0x20] =	vst v1  }
0xf7: {  	[tilespmem:s17+$0x30] =	vst v2  }
0xf8: {  	[tilespmem:s17+$0x40] =	vst v3  }
0xf9: {  	s18 =	simm.s32 $0x1C700;
	[tilespmem:s17+$0x50] =	vst v4  }
0xfa: {  	s20 =	sadd.s32 $0x0, s7;
	s19 =	simm.s32 $0x1C800;
	[tilespmem:s17+$0x60] =	vst v5;
	s17 =	simm.s32 $0x80  }
.LBB2_12:
0xfb: {  	[hbm4b:s20+s3] =	stream.linear.scatter [tilespmem:s18], [sflag:$0x2], $0x80, $0x38;
	[tilespmem:$0x1E700] =	vst v63  }
0xfc: {  	s20 =	smov.u32 s17;
	s18 =	smov.u32 s19;
	p0 =	sne.s32 s17, $0xF80  }
.Ltmp5:
0xfd: {  	s17 =	sadd.s32 $0x80, s17;
	(pc) =	sbr.rel @p0 .LBB2_12-.Ltmp5, $2  }
0xfe: {  	_ =	sdelay $0x2  }
0xff: {  	s19 =	sadd.s32 $0x100, s19;
	s20 =	sadd.s32 s20, s7  }
0x100: {  	[hbm4b:s20+s3] =	stream.linear.scatter [tilespmem:s18], [sflag:$0x2], $0x80, $0x38;
	[tilespmem:$0x1E700] =	vst v63  }
0x101: {  	_ =	swait.ge [sflag:s15], $0x1000  }
0x102: {  	[sflag:s15] =	ssyncset.done $0x0  }
0x103: {  	s17 =	simm.s32 $0x1B7F0;
	[sflag:s15] =	ssyncadd.s32 $0xFFFFF000  }
0x104: {  	v0 =	vld [tilespmem:s17+$0x0]  }
0x105: {  	v1 =	vld [tilespmem:s17+$0xFFFFFF20]  }
0x106: {  	v2 =	vld [tilespmem:s17+$0xFFFFFF30]  }
0x107: {  	v3 =	vld [tilespmem:s17+$0xFFFFFF40]  }
0x108: {  	v4 =	vld [tilespmem:s17+$0xFFFFFF50]  }
0x109: {  	v5 =	vld [tilespmem:s17+$0xFFFFFF60]  }
0x10a: {  	v6 =	vld [tilespmem:s17+$0xFFFFFF70]  }
0x10b: {  	v7 =	vld [tilespmem:s17+$0xFFFFFF80]  }
0x10c: {  	v8 =	vld [tilespmem:s17+$0xFFFFFF90]  }
0x10d: {  	v9 =	vld [tilespmem:s17+$0xFFFFFFA0]  }
0x10e: {  	v10 =	vld [tilespmem:s17+$0xFFFFFFB0]  }
0x10f: {  	v11 =	vld [tilespmem:s17+$0xFFFFFFC0]  }
0x110: {  	v12 =	vld [tilespmem:s17+$0xFFFFFFD0]  }
0x111: {  	v13 =	vld [tilespmem:s17+$0xFFFFFFE0]  }
0x112: {  	v14 =	vld [tilespmem:s17+$0xFFFFFFF0]  }
0x113: {  	v15 =	vld [tilespmem:s17+$0xFFFFFF10]  }
0x114: {  	v0 =	vld.idx.msk [tilespmem:v0+s3+$0x0], $0xffff  }
0x115: {  	v1 =	vld.idx.msk [tilespmem:v1+s3+$0x0], $0xffff  }
0x116: {  	v2 =	vld.idx.msk [tilespmem:v2+s3+$0x0], $0xffff  }
0x117: {  	v3 =	vld.idx.msk [tilespmem:v3+s3+$0x0], $0xffff  }
0x118: {  	v4 =	vld.idx.msk [tilespmem:v4+s3+$0x0], $0xffff  }
0x119: {  	s17 =	simm.s32 $0x1C880;
	v5 =	vld.idx.msk [tilespmem:v5+s3+$0x0], $0xffff  }
0x11a: {  	v6 =	vld.idx.msk [tilespmem:v6+s3+$0x0], $0xffff;
	[tilespmem:s17+$0x70] =	vst v0  }
0x11b: {  	v7 =	vld.idx.msk [tilespmem:v7+s3+$0x0], $0xffff;
	[tilespmem:s17+$0xFFFFFF10] =	vst v1  }
0x11c: {  	v15 =	vld.idx.msk [tilespmem:v15+s3+$0x0], $0xffff;
	[tilespmem:s17+$0xFFFFFF20] =	vst v2  }
0x11d: {  	v8 =	vld.idx.msk [tilespmem:v8+s3+$0x0], $0xffff;
	[tilespmem:s17+$0xFFFFFF30] =	vst v3  }
0x11e: {  	[tilespmem:s17+$0xFFFFFF40] =	vst v4;
	v0 =	vld.idx.msk [tilespmem:v9+s3+$0x0], $0xffff  }
0x11f: {  	[tilespmem:s17+$0xFFFFFF50] =	vst v5;
	v1 =	vld.idx.msk [tilespmem:v10+s3+$0x0], $0xffff  }
0x120: {  	[tilespmem:s17+$0xFFFFFF60] =	vst v6;
	v2 =	vld.idx.msk [tilespmem:v11+s3+$0x0], $0xffff  }
0x121: {  	[tilespmem:s17+$0xFFFFFF70] =	vst v7;
	v3 =	vld.idx.msk [tilespmem:v12+s3+$0x0], $0xffff  }
0x122: {  	[tilespmem:s17+$0xFFFFFF00] =	vst v15;
	v4 =	vld.idx.msk [tilespmem:v13+s3+$0x0], $0xffff  }
0x123: {  	s18 =	simm.s32 $0x0;
	s19 =	simm.s32 $0x1B8F0;
	[tilespmem:s17+$0x0] =	vst v8;
	v5 =	vld.idx.msk [tilespmem:v14+s3+$0x0], $0xffff  }
.LBB2_14:
0x124: {  	v6 =	vld [tilespmem:s19+$0x0];
	s18 =	sadd.s32 $0x100, s18;
	[tilespmem:s17+$0x10] =	vst v0  }
0x125: {  	v0 =	vld [tilespmem:s19+$0xFFFFFF20];
	p0 =	slt.u32 s18, $0xF00;
	[tilespmem:s17+$0x20] =	vst v1  }
0x126: {  	v1 =	vld [tilespmem:s19+$0xFFFFFF30];
	[tilespmem:s17+$0x30] =	vst v2  }
0x127: {  	v2 =	vld [tilespmem:s19+$0xFFFFFF40];
	[tilespmem:s17+$0x40] =	vst v3  }
0x128: {  	v3 =	vld [tilespmem:s19+$0xFFFFFF50];
	[tilespmem:s17+$0x50] =	vst v4  }
0x129: {  	v4 =	vld [tilespmem:s19+$0xFFFFFF60];
	[tilespmem:s17+$0x60] =	vst v5  }
0x12a: {  	v5 =	vld [tilespmem:s19+$0xFFFFFF70]  }
0x12b: {  	v7 =	vld [tilespmem:s19+$0xFFFFFF80]  }
0x12c: {  	v6 =	vld.idx.msk [tilespmem:v6+s3+$0x0], $0xffff  }
0x12d: {  	v8 =	vld [tilespmem:s19+$0xFFFFFF90]  }
0x12e: {  	v9 =	vld [tilespmem:s19+$0xFFFFFFA0]  }
0x12f: {  	v10 =	vld [tilespmem:s19+$0xFFFFFFB0]  }
0x130: {  	v11 =	vld [tilespmem:s19+$0xFFFFFFC0]  }
0x131: {  	s17 =	sadd.s32 $0x200, s17;
	v12 =	vld [tilespmem:s19+$0xFFFFFFD0]  }
0x132: {  	v13 =	vld [tilespmem:s19+$0xFFFFFFE0];
	[tilespmem:s17+$0x70] =	vst v6  }
0x133: {  	v6 =	vld [tilespmem:s19+$0xFFFFFFF0]  }
0x134: {  	v14 =	vld [tilespmem:s19+$0xFFFFFF10]  }
0x135: {  	v0 =	vld.idx.msk [tilespmem:v0+s3+$0x0], $0xffff  }
0x136: {  	v1 =	vld.idx.msk [tilespmem:v1+s3+$0x0], $0xffff  }
0x137: {  	v2 =	vld.idx.msk [tilespmem:v2+s3+$0x0], $0xffff  }
0x138: {  	v3 =	vld.idx.msk [tilespmem:v3+s3+$0x0], $0xffff  }
0x139: {  	v4 =	vld.idx.msk [tilespmem:v4+s3+$0x0], $0xffff  }
0x13a: {  	v5 =	vld.idx.msk [tilespmem:v5+s3+$0x0], $0xffff  }
0x13b: {  	[tilespmem:s17+$0xFFFFFF10] =	vst v0;
	v7 =	vld.idx.msk [tilespmem:v7+s3+$0x0], $0xffff  }
0x13c: {  	v14 =	vld.idx.msk [tilespmem:v14+s3+$0x0], $0xffff;
	[tilespmem:s17+$0xFFFFFF20] =	vst v1  }
0x13d: {  	[tilespmem:s17+$0xFFFFFF30] =	vst v2;
	v8 =	vld.idx.msk [tilespmem:v8+s3+$0x0], $0xffff  }
0x13e: {  	[tilespmem:s17+$0xFFFFFF40] =	vst v3;
	v0 =	vld.idx.msk [tilespmem:v9+s3+$0x0], $0xffff  }
.Ltmp6:
0x13f: {  	[tilespmem:s17+$0xFFFFFF50] =	vst v4;
	v1 =	vld.idx.msk [tilespmem:v10+s3+$0x0], $0xffff;
	(pc) =	sbr.rel @p0 .LBB2_14-.Ltmp6, $4  }
0x140: {  	[tilespmem:s17+$0xFFFFFF60] =	vst v5;
	v2 =	vld.idx.msk [tilespmem:v11+s3+$0x0], $0xffff  }
0x141: {  	[tilespmem:s17+$0xFFFFFF70] =	vst v7;
	v3 =	vld.idx.msk [tilespmem:v12+s3+$0x0], $0xffff  }
0x142: {  	[tilespmem:s17+$0xFFFFFF00] =	vst v14;
	v4 =	vld.idx.msk [tilespmem:v13+s3+$0x0], $0xffff  }
0x143: {  	s19 =	sadd.s32 $0x100, s19;
	[tilespmem:s17+$0x0] =	vst v8;
	v5 =	vld.idx.msk [tilespmem:v6+s3+$0x0], $0xffff  }
0x144: {  	[tilespmem:s17+$0x10] =	vst v0  }
0x145: {  	[tilespmem:s17+$0x20] =	vst v1  }
0x146: {  	[tilespmem:s17+$0x30] =	vst v2  }
0x147: {  	[tilespmem:s17+$0x40] =	vst v3  }
0x148: {  	s18 =	simm.s32 $0x1C780;
	[tilespmem:s17+$0x50] =	vst v4  }
0x149: {  	s20 =	sadd.s32 $0x0, s8;
	s19 =	simm.s32 $0x1C880;
	[tilespmem:s17+$0x60] =	vst v5;
	s17 =	simm.s32 $0x80  }
.LBB2_16:
0x14a: {  	[hbm4b:s20+s3] =	stream.linear.scatter [tilespmem:s18], [sflag:$0x2], $0x80, $0x38;
	[tilespmem:$0x1E700] =	vst v63  }
0x14b: {  	s20 =	smov.u32 s17;
	s18 =	smov.u32 s19;
	p0 =	sne.s32 s17, $0xF80  }
.Ltmp7:
0x14c: {  	s17 =	sadd.s32 $0x80, s17;
	(pc) =	sbr.rel @p0 .LBB2_16-.Ltmp7, $2  }
0x14d: {  	_ =	sdelay $0x2  }
0x14e: {  	s19 =	sadd.s32 $0x100, s19;
	s20 =	sadd.s32 s20, s8  }
0x14f: {  	[hbm4b:s20+s3] =	stream.linear.scatter [tilespmem:s18], [sflag:$0x2], $0x80, $0x38;
	[tilespmem:$0x1E700] =	vst v63  }
0x150: {  	s16 =	sadd.s32 $0x1, s16  }
0x151: {  	_ =	swait.ge [sflag:s15], $0x1000;
	p0 =	sne.s32 s16, s9  }
.Ltmp8:
0x152: {  	[sflag:s15] =	ssyncset.done $0x0;
	(pc) =	sbr.rel @p0 .LBB2_1-.Ltmp8, $4  }
0x153: {  	[sflag:s15] =	ssyncadd.s32 $0xFFFFF000  }
0x154: {  	_ =	swait.ge [sflag:s15], $0x1000  }
0x155: {  	[sflag:s15] =	ssyncset.done $0x0  }
0x156: {  	[sflag:s15] =	ssyncadd.s32 $0xFFFFF000  }
0x157: {  	_ =	sfence.sel $0x180000  }
0x158: {  	[bflag:$0x0] =	sbarrier.arrive $0xFFFF  }
0x159: {  	p0 =	sne.s32 s2, $0x0;
	_ =	strace $0x90000047  }
0x15a: {  	s0 =	sadd.s32 @!p0 $0x100000, s0;
	[bflag:$0x2] =	sbarrier.arrive $0xFFFF  }
0x15b: {  	[sflag:s0] =	ssyncadd.tile.s32 @!p0 $0x1;
	_ =	shalt  }
.Lfunc_end2:
_tile_overlayer_lowered:
.L_overlay_start_2:
0x15c: {  	(tag) =	ssettag $0x2  }
0x15d: {  	s0 =	rddreg [dreg:$0x0];
	s2 =	stileid.u32  }
0x15e: {  	s1 =	rddreg [dreg:$0x1];
	p0 =	sne.s32 s2, $0x0  }
0x15f: {  	s3 =	rddreg [dreg:$0x2];
	[bflag:$0x3] =	sbarrier.arrive $0xFFFF;
	s2 =	simm.s32 @!p0 $0x1C03  }
0x160: {  	[timem:s3], [sflag:s2] =	dma.local @!p0 [hbm:s0], s1  }
0x161: {  	s0 =	simm.s32 @!p0 $0x3  }
0x162: {  	_ =	swait.ge @!p0 [sflag:s0], s1  }
0x163: {  	s1 =	ssub.s32 @!p0 $0x0, s1;
	[sflag:s0] =	ssyncset.done @!p0 $0x0  }
0x164: {  	[sflag:s0] =	ssyncadd.s32 @!p0 s1  }
0x165: {  	[bflag:$0x3] =	sbarrier.arrive $0xFFFF  }
0x166: {  	_ =	shalt  }

</sc_bundles>
